<compile_context>
chip_gen: v7x
topology: tpu7x:2x2x1
jax: 0.10.2.dev20260603
libtpu: 0.0.44.dev20260713+nightly
codegen_flags: <defaults>
</compile_context>

<pallas_src>
import functools

import jax
import jax.numpy as jnp
import numpy as np
from jax import lax
from jax.experimental import pallas as pl
from jax.experimental.pallas import tpu as pltpu
from jax.experimental.pallas import tpu_sc as plsc

VOCAB = 16384
D = 768
NHEAD = 12
DH = 64
NHID = 3072
TOPK = 2
NUIDS = 256
MGN = 1024
B = 2
S = 512
NTOK = B * S

_F32 = jnp.float32
_BF16 = jnp.bfloat16
_HI = lax.Precision.HIGHEST


def _nt(a, b):
    return lax.dot_general(a, b, (((1,), (1,)), ((), ())),
                           preferred_element_type=_F32, precision=_HI)


def _nn(a, b):
    return lax.dot_general(a, b, (((1,), (0,)), ((), ())),
                           preferred_element_type=_F32, precision=_HI)


def _ntb(a, b):
    return lax.dot_general(a.astype(_BF16), b.astype(_BF16),
                           (((1,), (1,)), ((), ())),
                           preferred_element_type=_F32)


def _nnb(a, b):
    return lax.dot_general(a.astype(_BF16), b.astype(_BF16),
                           (((1,), (0,)), ((), ())),
                           preferred_element_type=_F32)


def _rb(a):
    return a.astype(_BF16).astype(_F32)


def _lnorm(x, g, b):
    m = jnp.mean(x, axis=1, keepdims=True)
    c = x - m
    v = jnp.mean(c * c, axis=1, keepdims=True)
    return c / jnp.sqrt(v + 1e-5) * g + b



def _gather_rows(table, idx):
    nw = 32
    bpw = NTOK // nw
    mesh = plsc.VectorSubcoreMesh(core_axis_name="c", subcore_axis_name="s")

    @functools.partial(
        pl.kernel, mesh=mesh,
        out_type=jax.ShapeDtypeStruct((NTOK, D), _F32),
        scratch_types=[
            pltpu.VMEM((bpw,), jnp.int32),
            pltpu.VMEM((bpw, D), _F32),
            pltpu.SemaphoreType.DMA,
        ],
    )
    def gk(table_hbm, idx_hbm, out_hbm, idx_v, rows_v, sem):
        wid = lax.axis_index("s") * 2 + lax.axis_index("c")
        base = wid * bpw
        pltpu.sync_copy(idx_hbm.at[pl.ds(base, bpw)], idx_v)
        pltpu.async_copy(table_hbm.at[idx_v], rows_v, sem).wait()
        pltpu.sync_copy(rows_v, out_hbm.at[pl.ds(base, bpw)])

    return gk(table, idx)



def _routing_body(emb_ref, wq_ref, bq_ref, wkv_ref, bkv_ref, wo_ref, bo_ref,
                  g1_ref, be1_ref, w1_ref, b1_ref, w2_ref, b2_ref,
                  g2_ref, be2_ref, gw_ref, gb_ref, noise_ref,
                  topw_ref, uids_ref, kv_scr):
    x = emb_ref[...]
    kv_scr[...] = _ntb(x, wkv_ref[...]) + bkv_ref[...]
    x_last = jnp.concatenate(
        [emb_ref[pl.ds(S - 1, 1), :], emb_ref[pl.ds(2 * S - 1, 1), :]], axis=0)
    q2 = _ntb(x_last, wq_ref[...]) + bq_ref[...]
    bd = (lax.broadcasted_iota(jnp.int32, (D, NHEAD), 0) // DH ==
          lax.broadcasted_iota(jnp.int32, (D, NHEAD), 1)).astype(_F32)
    obatches = []
    for b in range(B):
        kall = _rb(kv_scr[pl.ds(b * S, S), 0:D])
        vall = _rb(kv_scr[pl.ds(b * S, S), D:2 * D])
        prod = kall * _rb(q2[b:b + 1, :])
        s12 = _nn(prod, bd) * (1.0 / 8.0)
        s12 = s12 - jnp.max(s12, axis=0, keepdims=True)
        e12 = jnp.exp(s12)
        p12 = _rb(e12 / jnp.sum(e12, axis=0, keepdims=True))
        pexp = _nt(p12, bd)
        obatches.append(jnp.sum(pexp * vall, axis=0, keepdims=True))
    o2 = jnp.concatenate(obatches, axis=0)
    proj = _ntb(o2, wo_ref[...]) + bo_ref[...]
    x1 = _lnorm(x_last + proj, g1_ref[...], be1_ref[...])
    hid = jnp.maximum(_ntb(x1, w1_ref[...]) + b1_ref[...], 0.0)
    h2 = _ntb(hid, w2_ref[...]) + b2_ref[...]
    rc = _lnorm(x1 + h2, g2_ref[...], be2_ref[...]) * np.sqrt(D)
    rw = _ntb(rc, gw_ref[...]) + gb_ref[...]
    batchwise = jnp.mean(rw, axis=0, keepdims=True)
    mu = jnp.mean(batchwise)
    sd = jnp.sqrt(jnp.mean((batchwise - mu) ** 2))
    vals = batchwise + noise_ref[...] * sd
    vals = jnp.concatenate([vals, jnp.zeros((1, MGN - NUIDS), _F32)], axis=1)
    lidx = lax.broadcasted_iota(jnp.int32, (1, MGN), 1)
    m0 = jnp.max(vals)
    i0 = jnp.min(jnp.where(vals == m0, lidx, MGN))
    vals2 = jnp.where(lidx == i0, -jnp.inf, vals)
    m1 = jnp.max(vals2)
    i1 = jnp.min(jnp.where(vals2 == m1, lidx, MGN))
    tot = m0 + m1
    l128 = lax.broadcasted_iota(jnp.int32, (1, 128), 1)
    topw_ref[...] = jnp.where(l128 == 0, m0 / tot,
                              jnp.where(l128 == 1, m1 / tot, 0.0))
    uids_ref[...] = jnp.where(l128 == 0, i0, jnp.where(l128 == 1, i1, 0))


def _routing(emb, loc, gates_w, gates_b, noise):
    args = (
        emb,
        loc['Wqkv'][:D], loc['bqkv'][:D].reshape(1, D),
        loc['Wqkv'][D:], loc['bqkv'][D:].reshape(1, 2 * D),
        loc['Wo'], loc['bo'].reshape(1, D),
        loc['g1'].reshape(1, D), loc['be1'].reshape(1, D),
        loc['W1'], loc['b1'].reshape(1, NHID),
        loc['W2'], loc['b2'].reshape(1, D),
        loc['g2'].reshape(1, D), loc['be2'].reshape(1, D),
        gates_w, gates_b.reshape(1, NUIDS),
        noise.reshape(1, NUIDS),
    )
    return pl.pallas_call(
        _routing_body,
        out_shape=[jax.ShapeDtypeStruct((1, 128), _F32),
                   jax.ShapeDtypeStruct((1, 128), jnp.int32)],
        scratch_shapes=[pltpu.VMEM((NTOK, 2 * D), _F32)],
    )(*args)



def _encoder_body(wmat_ref, qr0_ref, qr1_ref, wqkv_ref, bqkv_ref, wo_ref,
                  bo_ref, g1_ref, be1_ref, w1_ref, b1_ref, w2_ref, b2_ref,
                  g2_ref, be2_ref, out_ref, qkv_scr, attn_scr):
    v = pl.program_id(0)
    w0 = wmat_ref[v, 0]
    w1 = wmat_ref[v, 1]
    x = (qr0_ref[0, 0].astype(_F32) * w0
         + qr1_ref[0, 0].astype(_F32) * w1)
    qkv_scr[...] = _ntb(x, wqkv_ref[...]) + bqkv_ref[...]
    for h in range(NHEAD):
        qh = qkv_scr[:, h * DH:(h + 1) * DH]
        kh = qkv_scr[:, D + h * DH:D + (h + 1) * DH]
        vh = qkv_scr[:, 2 * D + h * DH:2 * D + (h + 1) * DH]
        s = _ntb(qh, kh) * (1.0 / 8.0)
        s = s - jnp.max(s, axis=1, keepdims=True)
        e = jnp.exp(s)
        p = e / jnp.sum(e, axis=1, keepdims=True)
        attn_scr[:, h * DH:(h + 1) * DH] = _nnb(p, vh)
    proj = _ntb(attn_scr[...], wo_ref[...]) + bo_ref[...]
    x1 = _lnorm(x + proj, g1_ref[...], be1_ref[...])
    h2 = b2_ref[...] + jnp.zeros((S, D), _F32)
    for c in range(4):
        cs = pl.ds(c * D, D)
        hc = jnp.maximum(
            _ntb(x1, w1_ref[cs, :]) + b1_ref[:, c * D:(c + 1) * D],
            0.0)
        h2 = h2 + _ntb(hc, w2_ref[:, c * D:(c + 1) * D])
    out_ref[0, 0] = _lnorm(x1 + h2, g2_ref[...], be2_ref[...])


def _encoder(qr, wmat, enc):
    cz = lambda *_: (0, 0)
    full = lambda a: pl.BlockSpec(a.shape, cz)
    args = (
        wmat,
        qr, qr,
        enc['Wqkv'].astype(_BF16), enc['bqkv'].reshape(1, 3 * D),
        enc['Wo'].astype(_BF16), enc['bo'].reshape(1, D),
        enc['g1'].reshape(1, D), enc['be1'].reshape(1, D),
        enc['W1'].astype(_BF16), enc['b1'].reshape(1, NHID),
        enc['W2'].astype(_BF16), enc['b2'].reshape(1, D),
        enc['g2'].reshape(1, D), enc['be2'].reshape(1, D),
    )
    in_specs = [
        pl.BlockSpec(memory_space=pltpu.SMEM),
        pl.BlockSpec((1, 1, S, D), lambda v, b: (0, b, 0, 0)),
        pl.BlockSpec((1, 1, S, D), lambda v, b: (1, b, 0, 0)),
    ] + [full(a) for a in args[3:]]
    return pl.pallas_call(
        _encoder_body,
        grid=(3, B),
        in_specs=in_specs,
        out_specs=pl.BlockSpec((1, 1, S, D), lambda v, b: (v, b, 0, 0)),
        out_shape=jax.ShapeDtypeStruct((3, B, S, D), _F32),
        scratch_shapes=[pltpu.VMEM((S, 3 * D), _F32),
                        pltpu.VMEM((S, D), _F32)],
    )(*args)



_NVB = 16
_VB = VOCAB // _NVB


def _nll_body(uids_ref, h3_ref, dec_ref, lr_ref, loss_ref, scores_ref, s_scr):
    j = pl.program_id(0)
    for v in range(3):
        hv = h3_ref[pl.ds(v * NTOK, NTOK), :]
        logits = _ntb(hv, dec_ref[...])
        contrib = jnp.sum(jnp.exp(logits), axis=1, keepdims=True)

        @pl.when(j == 0)
        def _():
            s_scr[pl.ds(v * NTOK, NTOK), :] = contrib

        @pl.when(j > 0)
        def _():
            s_scr[pl.ds(v * NTOK, NTOK), :] = (
                s_scr[pl.ds(v * NTOK, NTOK), :] + contrib)

    @pl.when(j == _NVB - 1)
    def _():
        lr = lr_ref[...].astype(_F32)
        ridx = lax.broadcasted_iota(jnp.int32, (NTOK, 1), 0)
        valid = (ridx % S) != (S - 1)
        losses = []
        for v in range(3):
            hv = _rb(h3_ref[pl.ds(v * NTOK, NTOK), :])
            ll = jnp.sum(hv * lr, axis=1, keepdims=True)
            nll = jnp.log(s_scr[pl.ds(v * NTOK, NTOK), :]) - ll
            losses.append(jnp.sum(jnp.where(valid, nll, 0.0)) / (B * (S - 1)))
        d0 = losses[0] - losses[1]
        d1 = losses[0] - losses[2]
        loss_ref[...] = jnp.full((1, 1), losses[0], _F32)
        l = lax.broadcasted_iota(jnp.int32, (1, MGN), 1)
        scores_ref[...] = -(jnp.where(l == uids_ref[0], d0, 0.0)
                            + jnp.where(l == uids_ref[1], d1, 0.0))


def _nll(h3flat, dec, lrows, uids):
    cz3 = lambda j: (0, 0)
    return pl.pallas_call(
        _nll_body,
        grid=(_NVB,),
        in_specs=[
            pl.BlockSpec(memory_space=pltpu.SMEM),
            pl.BlockSpec(h3flat.shape, cz3),
            pl.BlockSpec((_VB, D), lambda j: (j, 0)),
            pl.BlockSpec(lrows.shape, cz3),
        ],
        out_specs=[pl.BlockSpec((1, 1), cz3), pl.BlockSpec((1, MGN), cz3)],
        out_shape=[jax.ShapeDtypeStruct((1, 1), _F32),
                   jax.ShapeDtypeStruct((1, MGN), _F32)],
        scratch_shapes=[pltpu.VMEM((3 * NTOK, 1), _F32)],
    )(uids, h3flat, dec, lrows)




def kernel(inputs, query_responses, params):
    p = params
    loc = p['local']
    enc = p['encoder'][0]
    idx_tok = inputs.reshape(-1).astype(jnp.int32)
    labels_pad = jnp.concatenate(
        [inputs[:, 1:], jnp.zeros((B, 1), inputs.dtype)], axis=1
    ).reshape(-1).astype(jnp.int32)

    emb = _gather_rows(p['embedding'], idx_tok)
    lrows = _gather_rows(p['decoder'], labels_pad)

    noise = jax.random.normal(jax.random.key(1), (NUIDS,))
    topw, uids = _routing(emb, loc, p['gates_W'], p['gates_b'], noise)
    w0 = topw[0, 0].astype(_BF16).astype(_F32)
    w1 = topw[0, 1].astype(_BF16).astype(_F32)
    z = jnp.zeros((), _F32)
    wmat = jnp.stack([jnp.stack([w0, w1]), jnp.stack([z, w1]),
                      jnp.stack([w0, z])])
    h3 = _encoder(query_responses.astype(_BF16), wmat, enc)
    loss2d, scores2d = _nll(h3.reshape(3 * NTOK, D),
                            p['decoder'].astype(_BF16),
                            lrows.astype(_BF16), uids[0, :TOPK])
    return loss2d[0, 0], scores2d.reshape(MGN)

# --- scband reference (transcript-rebuilt; emitter-appended) ---
"""Pipeline reference for scband-nucleus-59150289600755 (READ-ONLY COPY).

The authoritative reference and input builder live on the scoring server;
editing this copy changes nothing except your own understanding.
"""

import jax, jax.numpy as jnp
import numpy as np

VOCAB = 16384
D = 768
NHEAD = 12
NHID = 3072
NLAYERS = 1
TOPK = 2
NUIDS = 256
MGN = 1024
B = 2
S = 512

def _ln(x, g, b):
    m = x.mean(-1, keepdims=True)
    v = ((x - m) ** 2).mean(-1, keepdims=True)
    return (x - m) / jnp.sqrt(v + 1e-5) * g + b

def _mha(x, p, nhead):
    Bq, Sq, Dd = x.shape
    qkv = x @ p['Wqkv'].T + p['bqkv']
    q, k, v = jnp.split(qkv, 3, axis=-1)
    dh = Dd // nhead
    def sp(t):
        return t.reshape(Bq, Sq, nhead, dh).transpose(0, 2, 1, 3)
    q, k, v = sp(q), sp(k), sp(v)
    att = jax.nn.softmax(q @ k.transpose(0, 1, 3, 2) / np.sqrt(dh), axis=-1)
    o = (att @ v).transpose(0, 2, 1, 3).reshape(Bq, Sq, Dd)
    return o @ p['Wo'].T + p['bo']

def _enc_layer(x, p, nhead):
    x = _ln(x + _mha(x, p, nhead), p['g1'], p['be1'])
    h = jax.nn.relu(x @ p['W1'].T + p['b1']) @ p['W2'].T + p['b2']
    return _ln(x + h, p['g2'], p['be2'])

def _layer_params(key, d, nhid):
    ks = jax.random.split(key, 4)
    s = 0.02
    return {
        'Wqkv': jax.random.normal(ks[0], (3 * d, d)) * s,
        'bqkv': jnp.zeros(3 * d),
        'Wo': jax.random.normal(ks[1], (d, d)) * s,
        'bo': jnp.zeros(d),
        'g1': jnp.ones(d), 'be1': jnp.zeros(d),
        'W1': jax.random.normal(ks[2], (nhid, d)) * s,
        'b1': jnp.zeros(nhid),
        'W2': jax.random.normal(ks[3], (d, nhid)) * s,
        'b2': jnp.zeros(d),
        'g2': jnp.ones(d), 'be2': jnp.zeros(d),
    }

def setup_inputs(seed: int = 0):
    key = jax.random.key(seed)
    ks = jax.random.split(key, 8)
    params = {
        'embedding': jax.random.normal(ks[0], (VOCAB, D)) * 0.02,
        'local': _layer_params(ks[1], D, NHID),
        'encoder': [_layer_params(jax.random.fold_in(ks[2], i), D, NHID) for i in range(NLAYERS)],
        'decoder': jax.random.normal(ks[3], (VOCAB, D)) * 0.02,
        'gates_W': jax.random.normal(ks[4], (NUIDS, D)) * 0.02,
        'gates_b': jnp.zeros(NUIDS),
    }
    inputs = jax.random.randint(ks[5], (B, S), 0, VOCAB)
    query_responses = jax.random.normal(ks[6], (TOPK, B, S, D))
    return {'inputs': inputs, 'query_responses': query_responses, 'params': params}

def _target_loss(joined, params, inputs):
    h = joined
    for p in params['encoder']:
        h = _enc_layer(h, p, NHEAD)
    logits = h @ params['decoder'].T
    shift_logits = logits[:, :-1, :]
    shift_labels = inputs[:, 1:]
    logp = jax.nn.log_softmax(shift_logits, axis=-1)
    nll = -jnp.take_along_axis(logp, shift_labels[..., None], axis=-1).squeeze(-1)
    return nll.mean()

def reference(inputs, query_responses, params):
    emb = jnp.take(params['embedding'], inputs, axis=0)
    routing_context = _enc_layer(emb, params['local'], NHEAD) * np.sqrt(D)
    routing_weights = routing_context[:, -1, :] @ params['gates_W'].T + params['gates_b']
    batchwise = routing_weights.mean(axis=0)
    noise = jax.random.normal(jax.random.key(1), (NUIDS,)) * jnp.std(batchwise)
    full = jnp.zeros(MGN).at[jnp.arange(NUIDS)].set(batchwise + noise)
    topw, top_uids = jax.lax.top_k(full, TOPK)
    topw = topw / topw.sum()
    joined = jnp.einsum('k,kbsd->bsd', topw, query_responses)
    target_loss = _target_loss(joined, params, inputs)
    scores = jnp.zeros(MGN)
    for i in range(TOPK):
        mask = jnp.ones(TOPK).at[i].set(0.0)
        joined_m = jnp.einsum('k,kbsd->bsd', topw * mask, query_responses)
        masked_loss = _target_loss(joined_m, params, inputs)
        scores = scores.at[top_uids[i]].set(target_loss - masked_loss)
    return (target_loss, -scores)

if __name__ == "__main__":
    import jax
    _d = setup_inputs()
    print(jax.jit(kernel)(*tuple(_d.values())))

</pallas_src>

<mosaic_0001>
#map = affine_map<(d0, d1) -> (0, 0)>
#map1 = affine_map<(d0, d1) -> (0)>
module attributes {stable_mosaic.version = 14 : i64} {
  func.func @gk(%arg0: i32, %arg1: i32, %arg2: memref<16384x768xf32, #tpu.memory_space<hbm>>, %arg3: memref<1024xi32, #tpu.memory_space<hbm>>, %arg4: memref<1024x768xf32, #tpu.memory_space<hbm>>, %arg5: memref<32xi32, #tpu.memory_space<vmem>>, %arg6: memref<32x768xf32, #tpu.memory_space<vmem>>, %arg7: memref<!tpu.dma_semaphore, #tpu.memory_space<semaphore_mem>>) attributes {dimension_semantics = [#tpu.dimension_semantics<core_parallel>, #tpu.dimension_semantics<subcore_parallel>], iteration_bounds = array<i64: 2, 16>, scalar_prefetch = 0 : i64, scratch_operands = 3 : i64, tpu.core_type = #tpu.core_type<sc_vector_subcore>, window_params = [{transform_indices = #map}, {transform_indices = #map1}, {transform_indices = #map}]} {
    %mul3A = arith.constant 2 : i32
    %mul3A_0 = arith.muli %arg1, %mul3A : i32
    %add3A = arith.addi %mul3A_0, %arg0 : i32
    %mul3A_1 = arith.constant 32 : i32
    %mul3A_2 = arith.muli %add3A, %mul3A_1 : i32
    "tpu.region"() ({
      %run_scoped3A = tpu.sem_alloc : memref<!tpu.dma_semaphore, #tpu.memory_space<semaphore_mem>>
      %dma_start3A_7 = tpu.memref_slice %arg3[%mul3A_2] : memref<1024xi32, #tpu.memory_space<hbm>> -> memref<32xi32, #tpu.memory_space<hbm>>
      %dma_start3A_8 = tpu.memref_slice %arg3[%mul3A_2] : memref<1024xi32, #tpu.memory_space<hbm>> -> memref<32xi32, #tpu.memory_space<hbm>>
      tpu.enqueue_dma source(%dma_start3A_8 : memref<32xi32, #tpu.memory_space<hbm>>) target(%arg5 : memref<32xi32, #tpu.memory_space<vmem>>) target_semaphore(%run_scoped3A : memref<!tpu.dma_semaphore, #tpu.memory_space<semaphore_mem>>)
      %dma_wait3A_9 = tpu.memref_slice %arg3[%mul3A_2] : memref<1024xi32, #tpu.memory_space<hbm>> -> memref<32xi32, #tpu.memory_space<hbm>>
      %dma_wait3A_10 = tpu.memref_slice %arg3[%mul3A_2] : memref<1024xi32, #tpu.memory_space<hbm>> -> memref<32xi32, #tpu.memory_space<hbm>>
      tpu.wait_dma2 semaphore(%run_scoped3A : memref<!tpu.dma_semaphore, #tpu.memory_space<semaphore_mem>>) src(%dma_wait3A_10 : memref<32xi32, #tpu.memory_space<hbm>>) dst(%arg5 : memref<32xi32, #tpu.memory_space<vmem>>)
      tpu.yield
    }) : () -> ()
    %dma_start3A = arith.constant 0 : i32
    %dma_start3A_3 = arith.constant 0 : i32
    %dma_start3A_4 = tpu.memref_slice %arg2[%dma_start3A, %dma_start3A_3] : memref<16384x768xf32, #tpu.memory_space<hbm>> -> memref<16384x768xf32, #tpu.memory_space<hbm>>
    tpu.enqueue_indirect_dma source(%dma_start3A_4 : memref<16384x768xf32, #tpu.memory_space<hbm>>) target(%arg6 : memref<32x768xf32, #tpu.memory_space<vmem>>) offsets(%arg5 : memref<32xi32, #tpu.memory_space<vmem>>) semaphore(%arg7 : memref<!tpu.dma_semaphore, #tpu.memory_space<semaphore_mem>>)
    %dma_wait3A = arith.constant 0 : i32
    %dma_wait3A_5 = arith.constant 0 : i32
    %dma_wait3A_6 = tpu.memref_slice %arg2[%dma_wait3A, %dma_wait3A_5] : memref<16384x768xf32, #tpu.memory_space<hbm>> -> memref<16384x768xf32, #tpu.memory_space<hbm>>
    tpu.wait_indirect_dma semaphore(%arg7 : memref<!tpu.dma_semaphore, #tpu.memory_space<semaphore_mem>>) src(%dma_wait3A_6 : memref<16384x768xf32, #tpu.memory_space<hbm>>) dst(%arg6 : memref<32x768xf32, #tpu.memory_space<vmem>>)
    "tpu.region"() ({
      %run_scoped3A = tpu.sem_alloc : memref<!tpu.dma_semaphore, #tpu.memory_space<semaphore_mem>>
      %dma_start3A_7 = arith.constant 0 : i32
      %dma_start3A_8 = tpu.memref_slice %arg4[%mul3A_2, %dma_start3A_7] : memref<1024x768xf32, #tpu.memory_space<hbm>> -> memref<32x768xf32, #tpu.memory_space<hbm>>
      %dma_start3A_9 = arith.constant 0 : i32
      %dma_start3A_10 = tpu.memref_slice %arg4[%mul3A_2, %dma_start3A_9] : memref<1024x768xf32, #tpu.memory_space<hbm>> -> memref<32x768xf32, #tpu.memory_space<hbm>>
      tpu.enqueue_dma source(%arg6 : memref<32x768xf32, #tpu.memory_space<vmem>>) target(%dma_start3A_10 : memref<32x768xf32, #tpu.memory_space<hbm>>) target_semaphore(%run_scoped3A : memref<!tpu.dma_semaphore, #tpu.memory_space<semaphore_mem>>)
      %dma_wait3A_11 = arith.constant 0 : i32
      %dma_wait3A_12 = tpu.memref_slice %arg4[%mul3A_2, %dma_wait3A_11] : memref<1024x768xf32, #tpu.memory_space<hbm>> -> memref<32x768xf32, #tpu.memory_space<hbm>>
      %dma_wait3A_13 = arith.constant 0 : i32
      %dma_wait3A_14 = tpu.memref_slice %arg4[%mul3A_2, %dma_wait3A_13] : memref<1024x768xf32, #tpu.memory_space<hbm>> -> memref<32x768xf32, #tpu.memory_space<hbm>>
      tpu.wait_dma2 semaphore(%run_scoped3A : memref<!tpu.dma_semaphore, #tpu.memory_space<semaphore_mem>>) src(%arg6 : memref<32x768xf32, #tpu.memory_space<vmem>>) dst(%dma_wait3A_14 : memref<32x768xf32, #tpu.memory_space<hbm>>)
      tpu.yield
    }) : () -> ()
    return
  }
}

#map = affine_map<(d0, d1) -> (0, 0)>
#map1 = affine_map<(d0, d1) -> (0)>
module attributes {stable_mosaic.version = 14 : i64} {
  func.func @gk(%arg0: i32, %arg1: i32, %arg2: memref<16384x768xf32, #tpu.memory_space<hbm>>, %arg3: memref<1024xi32, #tpu.memory_space<hbm>>, %arg4: memref<1024x768xf32, #tpu.memory_space<hbm>>, %arg5: memref<32xi32, #tpu.memory_space<vmem>>, %arg6: memref<32x768xf32, #tpu.memory_space<vmem>>, %arg7: memref<!tpu.dma_semaphore, #tpu.memory_space<semaphore_mem>>) attributes {dimension_semantics = [#tpu.dimension_semantics<core_parallel>, #tpu.dimension_semantics<subcore_parallel>], iteration_bounds = array<i64: 2, 16>, scalar_prefetch = 0 : i64, scratch_operands = 3 : i64, tpu.core_type = #tpu.core_type<sc_vector_subcore>, window_params = [{transform_indices = #map}, {transform_indices = #map1}, {transform_indices = #map}]} {
    %mul3A = arith.constant 2 : i32
    %mul3A_0 = arith.muli %arg1, %mul3A : i32
    %add3A = arith.addi %mul3A_0, %arg0 : i32
    %mul3A_1 = arith.constant 32 : i32
    %mul3A_2 = arith.muli %add3A, %mul3A_1 : i32
    "tpu.region"() ({
      %run_scoped3A = tpu.sem_alloc : memref<!tpu.dma_semaphore, #tpu.memory_space<semaphore_mem>>
      %dma_start3A_7 = tpu.memref_slice %arg3[%mul3A_2] : memref<1024xi32, #tpu.memory_space<hbm>> -> memref<32xi32, #tpu.memory_space<hbm>>
      %dma_start3A_8 = tpu.memref_slice %arg3[%mul3A_2] : memref<1024xi32, #tpu.memory_space<hbm>> -> memref<32xi32, #tpu.memory_space<hbm>>
      tpu.enqueue_dma source(%dma_start3A_8 : memref<32xi32, #tpu.memory_space<hbm>>) target(%arg5 : memref<32xi32, #tpu.memory_space<vmem>>) target_semaphore(%run_scoped3A : memref<!tpu.dma_semaphore, #tpu.memory_space<semaphore_mem>>)
      %dma_wait3A_9 = tpu.memref_slice %arg3[%mul3A_2] : memref<1024xi32, #tpu.memory_space<hbm>> -> memref<32xi32, #tpu.memory_space<hbm>>
      %dma_wait3A_10 = tpu.memref_slice %arg3[%mul3A_2] : memref<1024xi32, #tpu.memory_space<hbm>> -> memref<32xi32, #tpu.memory_space<hbm>>
      tpu.wait_dma2 semaphore(%run_scoped3A : memref<!tpu.dma_semaphore, #tpu.memory_space<semaphore_mem>>) src(%dma_wait3A_10 : memref<32xi32, #tpu.memory_space<hbm>>) dst(%arg5 : memref<32xi32, #tpu.memory_space<vmem>>)
      tpu.yield
    }) : () -> ()
    %dma_start3A = arith.constant 0 : i32
    %dma_start3A_3 = arith.constant 0 : i32
    %dma_start3A_4 = tpu.memref_slice %arg2[%dma_start3A, %dma_start3A_3] : memref<16384x768xf32, #tpu.memory_space<hbm>> -> memref<16384x768xf32, #tpu.memory_space<hbm>>
    tpu.enqueue_indirect_dma source(%dma_start3A_4 : memref<16384x768xf32, #tpu.memory_space<hbm>>) target(%arg6 : memref<32x768xf32, #tpu.memory_space<vmem>>) offsets(%arg5 : memref<32xi32, #tpu.memory_space<vmem>>) semaphore(%arg7 : memref<!tpu.dma_semaphore, #tpu.memory_space<semaphore_mem>>)
    %dma_wait3A = arith.constant 0 : i32
    %dma_wait3A_5 = arith.constant 0 : i32
    %dma_wait3A_6 = tpu.memref_slice %arg2[%dma_wait3A, %dma_wait3A_5] : memref<16384x768xf32, #tpu.memory_space<hbm>> -> memref<16384x768xf32, #tpu.memory_space<hbm>>
    tpu.wait_indirect_dma semaphore(%arg7 : memref<!tpu.dma_semaphore, #tpu.memory_space<semaphore_mem>>) src(%dma_wait3A_6 : memref<16384x768xf32, #tpu.memory_space<hbm>>) dst(%arg6 : memref<32x768xf32, #tpu.memory_space<vmem>>)
    "tpu.region"() ({
      %run_scoped3A = tpu.sem_alloc : memref<!tpu.dma_semaphore, #tpu.memory_space<semaphore_mem>>
      %dma_start3A_7 = arith.constant 0 : i32
      %dma_start3A_8 = tpu.memref_slice %arg4[%mul3A_2, %dma_start3A_7] : memref<1024x768xf32, #tpu.memory_space<hbm>> -> memref<32x768xf32, #tpu.memory_space<hbm>>
      %dma_start3A_9 = arith.constant 0 : i32
      %dma_start3A_10 = tpu.memref_slice %arg4[%mul3A_2, %dma_start3A_9] : memref<1024x768xf32, #tpu.memory_space<hbm>> -> memref<32x768xf32, #tpu.memory_space<hbm>>
      tpu.enqueue_dma source(%arg6 : memref<32x768xf32, #tpu.memory_space<vmem>>) target(%dma_start3A_10 : memref<32x768xf32, #tpu.memory_space<hbm>>) target_semaphore(%run_scoped3A : memref<!tpu.dma_semaphore, #tpu.memory_space<semaphore_mem>>)
      %dma_wait3A_11 = arith.constant 0 : i32
      %dma_wait3A_12 = tpu.memref_slice %arg4[%mul3A_2, %dma_wait3A_11] : memref<1024x768xf32, #tpu.memory_space<hbm>> -> memref<32x768xf32, #tpu.memory_space<hbm>>
      %dma_wait3A_13 = arith.constant 0 : i32
      %dma_wait3A_14 = tpu.memref_slice %arg4[%mul3A_2, %dma_wait3A_13] : memref<1024x768xf32, #tpu.memory_space<hbm>> -> memref<32x768xf32, #tpu.memory_space<hbm>>
      tpu.wait_dma2 semaphore(%run_scoped3A : memref<!tpu.dma_semaphore, #tpu.memory_space<semaphore_mem>>) src(%arg6 : memref<32x768xf32, #tpu.memory_space<vmem>>) dst(%dma_wait3A_14 : memref<32x768xf32, #tpu.memory_space<hbm>>)
      tpu.yield
    }) : () -> ()
    return
  }
}

module attributes {stable_mosaic.version = 14 : i64} {
  func.func @_routing_body(%arg0: memref<1024x768xf32, #tpu.memory_space<vmem>>, %arg1: memref<768x768xf32, #tpu.memory_space<vmem>>, %arg2: memref<1x768xf32, #tpu.memory_space<vmem>>, %arg3: memref<1536x768xf32, #tpu.memory_space<vmem>>, %arg4: memref<1x1536xf32, #tpu.memory_space<vmem>>, %arg5: memref<768x768xf32, #tpu.memory_space<vmem>>, %arg6: memref<1x768xf32, #tpu.memory_space<vmem>>, %arg7: memref<1x768xf32, #tpu.memory_space<vmem>>, %arg8: memref<1x768xf32, #tpu.memory_space<vmem>>, %arg9: memref<3072x768xf32, #tpu.memory_space<vmem>>, %arg10: memref<1x3072xf32, #tpu.memory_space<vmem>>, %arg11: memref<768x3072xf32, #tpu.memory_space<vmem>>, %arg12: memref<1x768xf32, #tpu.memory_space<vmem>>, %arg13: memref<1x768xf32, #tpu.memory_space<vmem>>, %arg14: memref<1x768xf32, #tpu.memory_space<vmem>>, %arg15: memref<256x768xf32, #tpu.memory_space<vmem>>, %arg16: memref<1x256xf32, #tpu.memory_space<vmem>>, %arg17: memref<1x256xf32, #tpu.memory_space<vmem>>, %arg18: memref<1x128xf32, #tpu.memory_space<vmem>>, %arg19: memref<1x128xi32, #tpu.memory_space<vmem>>, %arg20: memref<1024x1536xf32, #tpu.memory_space<vmem>>) attributes {dimension_semantics = [], scalar_prefetch = 0 : i64, scratch_operands = 1 : i64, tpu.core_type = #tpu.core_type<tc>} {
    %get3A = arith.constant 0 : index
    %get3A_0 = arith.constant 0 : index
    %get3A_1 = vector.load %arg0[%get3A, %get3A_0] : memref<1024x768xf32, #tpu.memory_space<vmem>>, vector<1024x768xf32>
    %get3A_2 = arith.constant 0 : index
    %get3A_3 = arith.constant 0 : index
    %get3A_4 = vector.load %arg3[%get3A_2, %get3A_3] : memref<1536x768xf32, #tpu.memory_space<vmem>>, vector<1536x768xf32>
    %convert_element_type3A = arith.truncf %get3A_1 : vector<1024x768xf32> to vector<1024x768xbf16>
    %convert_element_type3A_5 = arith.truncf %get3A_4 : vector<1536x768xf32> to vector<1536x768xbf16>
    %dot_general3A = arith.constant dense<0.000000e+00> : vector<1024x1536xf32>
    %dot_general3A_6 = tpu.matmul %convert_element_type3A, %convert_element_type3A_5, %dot_general3A {dimension_numbers = #tpu.dot_dimension_numbers<[1], [1], [0], [0], [0, 0, 1, 0], [], []>, transpose_lhs_hint = false} : vector<1024x768xbf16>, vector<1536x768xbf16>, vector<1024x1536xf32> -> vector<1024x1536xf32>
    %get3A_7 = arith.constant 0 : index
    %get3A_8 = arith.constant 0 : index
    %get3A_9 = vector.load %arg4[%get3A_7, %get3A_8] : memref<1x1536xf32, #tpu.memory_space<vmem>>, vector<1x1536xf32>
    %add3A = vector.broadcast %get3A_9 : vector<1x1536xf32> to vector<1024x1536xf32>
    %add3A_10 = arith.addf %dot_general3A_6, %add3A : vector<1024x1536xf32>
    %swap3A = arith.constant 0 : index
    %swap3A_11 = arith.constant 0 : index
    %swap3A_12 = vector.load %arg20[%swap3A, %swap3A_11] : memref<1024x1536xf32, #tpu.memory_space<vmem>>, vector<1024x1536xf32>
    tpu.vector_store %arg20[%swap3A, %swap3A_11], %add3A_10 {strides = array<i32>} : memref<1024x1536xf32, #tpu.memory_space<vmem>>, vector<1024x1536xf32>,
    %get3A_13 = arith.constant 511 : index
    %get3A_14 = arith.constant 0 : index
    %get3A_15 = vector.load %arg0[%get3A_13, %get3A_14] : memref<1024x768xf32, #tpu.memory_space<vmem>>, vector<1x768xf32>
    %get3A_16 = arith.constant 1023 : index
    %get3A_17 = arith.constant 0 : index
    %get3A_18 = vector.load %arg0[%get3A_16, %get3A_17] : memref<1024x768xf32, #tpu.memory_space<vmem>>, vector<1x768xf32>
    %concatenate3A = tpu.concatenate %get3A_15, %get3A_18 in 0 : vector<1x768xf32>, vector<1x768xf32> -> vector<2x768xf32>
    %get3A_19 = arith.constant 0 : index
    %get3A_20 = arith.constant 0 : index
    %get3A_21 = vector.load %arg1[%get3A_19, %get3A_20] : memref<768x768xf32, #tpu.memory_space<vmem>>, vector<768x768xf32>
    %convert_element_type3A_22 = arith.truncf %concatenate3A : vector<2x768xf32> to vector<2x768xbf16>
    %convert_element_type3A_23 = arith.truncf %get3A_21 : vector<768x768xf32> to vector<768x768xbf16>
    %dot_general3A_24 = arith.constant dense<0.000000e+00> : vector<2x768xf32>
    %dot_general3A_25 = tpu.matmul %convert_element_type3A_22, %convert_element_type3A_23, %dot_general3A_24 {dimension_numbers = #tpu.dot_dimension_numbers<[1], [1], [0], [0], [0, 0, 1, 0], [], []>, transpose_lhs_hint = false} : vector<2x768xbf16>, vector<768x768xbf16>, vector<2x768xf32> -> vector<2x768xf32>
    %get3A_26 = arith.constant 0 : index
    %get3A_27 = arith.constant 0 : index
    %get3A_28 = vector.load %arg2[%get3A_26, %get3A_27] : memref<1x768xf32, #tpu.memory_space<vmem>>, vector<1x768xf32>
    %add3A_29 = vector.broadcast %get3A_28 : vector<1x768xf32> to vector<2x768xf32>
    %add3A_30 = arith.addf %dot_general3A_25, %add3A_29 : vector<2x768xf32>
    %iota3A = tpu.iota {dimensions = array<i32: 0>} : vector<768x12xi32>
    %jit3A = arith.constant 64 : i32
    %div3A = vector.broadcast %jit3A : i32 to vector<768x12xi32>
    %div3A_31 = arith.divsi %iota3A, %div3A : vector<768x12xi32>
    %sign3A = arith.constant 0 : i32
    %sign3A_32 = vector.broadcast %sign3A : i32 to vector<768x12xi32>
    %sign3A_33 = arith.cmpi sgt, %iota3A, %sign3A_32 : vector<768x12xi32>
    %sign3A_34 = arith.extui %sign3A_33 : vector<768x12xi1> to vector<768x12xi32>
    %sign3A_35 = arith.constant 0 : i32
    %sign3A_36 = vector.broadcast %sign3A_35 : i32 to vector<768x12xi32>
    %sign3A_37 = arith.cmpi slt, %iota3A, %sign3A_36 : vector<768x12xi32>
    %sign3A_38 = arith.extui %sign3A_37 : vector<768x12xi1> to vector<768x12xi32>
    %sign3A_39 = arith.subi %sign3A_34, %sign3A_38 : vector<768x12xi32>
    %sign3A_40 = arith.constant 0 : i32
    %sign3A_41 = arith.cmpi sgt, %jit3A, %sign3A_40 : i32
    %sign3A_42 = arith.extui %sign3A_41 : i1 to i32
    %sign3A_43 = arith.constant 0 : i32
    %sign3A_44 = arith.cmpi slt, %jit3A, %sign3A_43 : i32
    %sign3A_45 = arith.extui %sign3A_44 : i1 to i32
    %sign3A_46 = arith.subi %sign3A_42, %sign3A_45 : i32
    %ne3A = vector.broadcast %sign3A_46 : i32 to vector<768x12xi32>
    %ne3A_47 = arith.cmpi ne, %sign3A_39, %ne3A : vector<768x12xi32>
    %rem3A = vector.broadcast %jit3A : i32 to vector<768x12xi32>
    %rem3A_48 = arith.remsi %iota3A, %rem3A : vector<768x12xi32>
    %ne3A_49 = arith.constant 0 : i32
    %ne3A_50 = vector.broadcast %ne3A_49 : i32 to vector<768x12xi32>
    %ne3A_51 = arith.cmpi ne, %rem3A_48, %ne3A_50 : vector<768x12xi32>
    %and3A = arith.andi %ne3A_47, %ne3A_51 : vector<768x12xi1>
    %sub3A = arith.constant 1 : i32
    %sub3A_52 = vector.broadcast %sub3A : i32 to vector<768x12xi32>
    %sub3A_53 = arith.subi %div3A_31, %sub3A_52 : vector<768x12xi32>
    %select_n3A = arith.select %and3A, %sub3A_53, %div3A_31 : vector<768x12xi1>, vector<768x12xi32>
    %iota3A_54 = tpu.iota {dimensions = array<i32: 1>} : vector<768x12xi32>
    %eq3A = arith.cmpi eq, %select_n3A, %iota3A_54 : vector<768x12xi32>
    %convert_element_type3A_55 = arith.extui %eq3A : vector<768x12xi1> to vector<768x12xi32>
    %convert_element_type3A_56 = arith.sitofp %convert_element_type3A_55 : vector<768x12xi32> to vector<768x12xf32>
    %get3A_57 = arith.constant 0 : index
    %get3A_58 = arith.constant 0 : index
    %get3A_59 = vector.load %arg20[%get3A_57, %get3A_58] : memref<1024x1536xf32, #tpu.memory_space<vmem>>, vector<512x768xf32>
    %convert_element_type3A_60 = arith.truncf %get3A_59 : vector<512x768xf32> to vector<512x768xbf16>
    %convert_element_type3A_61 = arith.extf %convert_element_type3A_60 : vector<512x768xbf16> to vector<512x768xf32>
    %get3A_62 = arith.constant 0 : index
    %get3A_63 = arith.constant 768 : index
    %get3A_64 = vector.load %arg20[%get3A_62, %get3A_63] : memref<1024x1536xf32, #tpu.memory_space<vmem>>, vector<512x768xf32>
    %convert_element_type3A_65 = arith.truncf %get3A_64 : vector<512x768xf32> to vector<512x768xbf16>
    %convert_element_type3A_66 = arith.extf %convert_element_type3A_65 : vector<512x768xbf16> to vector<512x768xf32>
    %slice3A = vector.extract_strided_slice %add3A_30 {offsets = [0, 0], sizes = [1, 768], strides = [1, 1]} : vector<2x768xf32> to vector<1x768xf32>
    %convert_element_type3A_67 = arith.truncf %slice3A : vector<1x768xf32> to vector<1x768xbf16>
    %convert_element_type3A_68 = arith.extf %convert_element_type3A_67 : vector<1x768xbf16> to vector<1x768xf32>
    %mul3A = vector.broadcast %convert_element_type3A_68 : vector<1x768xf32> to vector<512x768xf32>
    %mul3A_69 = arith.mulf %convert_element_type3A_61, %mul3A : vector<512x768xf32>
    %dot_general3A_70 = arith.constant dense<0.000000e+00> : vector<512x12xf32>
    %dot_general3A_71 = tpu.matmul %mul3A_69, %convert_element_type3A_56, %dot_general3A_70 {dimension_numbers = #tpu.dot_dimension_numbers<[1], [0], [0], [1], [0, 0, 1, 1], [], []>, precision = #tpu.contract_precision<fp32>, transpose_lhs_hint = false} : vector<512x768xf32>, vector<768x12xf32>, vector<512x12xf32> -> vector<512x12xf32>
    %mul3A_72 = arith.constant 1.250000e-01 : f32
    %mul3A_73 = vector.broadcast %mul3A_72 : f32 to vector<512x12xf32>
    %mul3A_74 = arith.mulf %dot_general3A_71, %mul3A_73 : vector<512x12xf32>
    %reduce_max3A = arith.constant dense<0xFF800000> : vector<12xf32>
    %reduce_max3A_75 = vector.multi_reduction <maximumf>, %mul3A_74, %reduce_max3A [0] : vector<512x12xf32> to vector<12xf32>
    %broadcast_in_dim3A = vector.shape_cast %reduce_max3A_75 : vector<12xf32> to vector<1x12xf32>
    %sub3A_76 = vector.broadcast %broadcast_in_dim3A : vector<1x12xf32> to vector<512x12xf32>
    %sub3A_77 = arith.subf %mul3A_74, %sub3A_76 : vector<512x12xf32>
    %exp3A = math.exp %sub3A_77 : vector<512x12xf32>
    %reduce_sum3A = arith.constant dense<0.000000e+00> : vector<12xf32>
    %reduce_sum3A_78 = vector.multi_reduction <add>, %exp3A, %reduce_sum3A [0] : vector<512x12xf32> to vector<12xf32>
    %broadcast_in_dim3A_79 = vector.shape_cast %reduce_sum3A_78 : vector<12xf32> to vector<1x12xf32>
    %div3A_80 = vector.broadcast %broadcast_in_dim3A_79 : vector<1x12xf32> to vector<512x12xf32>
    %div3A_81 = arith.divf %exp3A, %div3A_80 : vector<512x12xf32>
    %convert_element_type3A_82 = arith.truncf %div3A_81 : vector<512x12xf32> to vector<512x12xbf16>
    %convert_element_type3A_83 = arith.extf %convert_element_type3A_82 : vector<512x12xbf16> to vector<512x12xf32>
    %dot_general3A_84 = arith.constant dense<0.000000e+00> : vector<512x768xf32>
    %dot_general3A_85 = tpu.matmul %convert_element_type3A_83, %convert_element_type3A_56, %dot_general3A_84 {dimension_numbers = #tpu.dot_dimension_numbers<[1], [1], [0], [0], [0, 0, 1, 0], [], []>, precision = #tpu.contract_precision<fp32>, transpose_lhs_hint = false} : vector<512x12xf32>, vector<768x12xf32>, vector<512x768xf32> -> vector<512x768xf32>
    %mul3A_86 = arith.mulf %dot_general3A_85, %convert_element_type3A_66 : vector<512x768xf32>
    %reduce_sum3A_87 = arith.constant dense<0.000000e+00> : vector<768xf32>
    %reduce_sum3A_88 = vector.multi_reduction <add>, %mul3A_86, %reduce_sum3A_87 [0] : vector<512x768xf32> to vector<768xf32>
    %broadcast_in_dim3A_89 = vector.shape_cast %reduce_sum3A_88 : vector<768xf32> to vector<1x768xf32>
    %get3A_90 = arith.constant 512 : index
    %get3A_91 = arith.constant 0 : index
    %get3A_92 = vector.load %arg20[%get3A_90, %get3A_91] : memref<1024x1536xf32, #tpu.memory_space<vmem>>, vector<512x768xf32>
    %convert_element_type3A_93 = arith.truncf %get3A_92 : vector<512x768xf32> to vector<512x768xbf16>
    %convert_element_type3A_94 = arith.extf %convert_element_type3A_93 : vector<512x768xbf16> to vector<512x768xf32>
    %get3A_95 = arith.constant 512 : index
    %get3A_96 = arith.constant 768 : index
    %get3A_97 = vector.load %arg20[%get3A_95, %get3A_96] : memref<1024x1536xf32, #tpu.memory_space<vmem>>, vector<512x768xf32>
    %convert_element_type3A_98 = arith.truncf %get3A_97 : vector<512x768xf32> to vector<512x768xbf16>
    %convert_element_type3A_99 = arith.extf %convert_element_type3A_98 : vector<512x768xbf16> to vector<512x768xf32>
    %slice3A_100 = vector.extract_strided_slice %add3A_30 {offsets = [1, 0], sizes = [1, 768], strides = [1, 1]} : vector<2x768xf32> to vector<1x768xf32>
    %convert_element_type3A_101 = arith.truncf %slice3A_100 : vector<1x768xf32> to vector<1x768xbf16>
    %convert_element_type3A_102 = arith.extf %convert_element_type3A_101 : vector<1x768xbf16> to vector<1x768xf32>
    %mul3A_103 = vector.broadcast %convert_element_type3A_102 : vector<1x768xf32> to vector<512x768xf32>
    %mul3A_104 = arith.mulf %convert_element_type3A_94, %mul3A_103 : vector<512x768xf32>
    %dot_general3A_105 = arith.constant dense<0.000000e+00> : vector<512x12xf32>
    %dot_general3A_106 = tpu.matmul %mul3A_104, %convert_element_type3A_56, %dot_general3A_105 {dimension_numbers = #tpu.dot_dimension_numbers<[1], [0], [0], [1], [0, 0, 1, 1], [], []>, precision = #tpu.contract_precision<fp32>, transpose_lhs_hint = false} : vector<512x768xf32>, vector<768x12xf32>, vector<512x12xf32> -> vector<512x12xf32>
    %mul3A_107 = arith.constant 1.250000e-01 : f32
    %mul3A_108 = vector.broadcast %mul3A_107 : f32 to vector<512x12xf32>
    %mul3A_109 = arith.mulf %dot_general3A_106, %mul3A_108 : vector<512x12xf32>
    %reduce_max3A_110 = arith.constant dense<0xFF800000> : vector<12xf32>
    %reduce_max3A_111 = vector.multi_reduction <maximumf>, %mul3A_109, %reduce_max3A_110 [0] : vector<512x12xf32> to vector<12xf32>
    %broadcast_in_dim3A_112 = vector.shape_cast %reduce_max3A_111 : vector<12xf32> to vector<1x12xf32>
    %sub3A_113 = vector.broadcast %broadcast_in_dim3A_112 : vector<1x12xf32> to vector<512x12xf32>
    %sub3A_114 = arith.subf %mul3A_109, %sub3A_113 : vector<512x12xf32>
    %exp3A_115 = math.exp %sub3A_114 : vector<512x12xf32>
    %reduce_sum3A_116 = arith.constant dense<0.000000e+00> : vector<12xf32>
    %reduce_sum3A_117 = vector.multi_reduction <add>, %exp3A_115, %reduce_sum3A_116 [0] : vector<512x12xf32> to vector<12xf32>
    %broadcast_in_dim3A_118 = vector.shape_cast %reduce_sum3A_117 : vector<12xf32> to vector<1x12xf32>
    %div3A_119 = vector.broadcast %broadcast_in_dim3A_118 : vector<1x12xf32> to vector<512x12xf32>
    %div3A_120 = arith.divf %exp3A_115, %div3A_119 : vector<512x12xf32>
    %convert_element_type3A_121 = arith.truncf %div3A_120 : vector<512x12xf32> to vector<512x12xbf16>
    %convert_element_type3A_122 = arith.extf %convert_element_type3A_121 : vector<512x12xbf16> to vector<512x12xf32>
    %dot_general3A_123 = arith.constant dense<0.000000e+00> : vector<512x768xf32>
    %dot_general3A_124 = tpu.matmul %convert_element_type3A_122, %convert_element_type3A_56, %dot_general3A_123 {dimension_numbers = #tpu.dot_dimension_numbers<[1], [1], [0], [0], [0, 0, 1, 0], [], []>, precision = #tpu.contract_precision<fp32>, transpose_lhs_hint = false} : vector<512x12xf32>, vector<768x12xf32>, vector<512x768xf32> -> vector<512x768xf32>
    %mul3A_125 = arith.mulf %dot_general3A_124, %convert_element_type3A_99 : vector<512x768xf32>
    %reduce_sum3A_126 = arith.constant dense<0.000000e+00> : vector<768xf32>
    %reduce_sum3A_127 = vector.multi_reduction <add>, %mul3A_125, %reduce_sum3A_126 [0] : vector<512x768xf32> to vector<768xf32>
    %broadcast_in_dim3A_128 = vector.shape_cast %reduce_sum3A_127 : vector<768xf32> to vector<1x768xf32>
    %concatenate3A_129 = tpu.concatenate %broadcast_in_dim3A_89, %broadcast_in_dim3A_128 in 0 : vector<1x768xf32>, vector<1x768xf32> -> vector<2x768xf32>
    %get3A_130 = arith.constant 0 : index
    %get3A_131 = arith.constant 0 : index
    %get3A_132 = vector.load %arg5[%get3A_130, %get3A_131] : memref<768x768xf32, #tpu.memory_space<vmem>>, vector<768x768xf32>
    %convert_element_type3A_133 = arith.truncf %concatenate3A_129 : vector<2x768xf32> to vector<2x768xbf16>
    %convert_element_type3A_134 = arith.truncf %get3A_132 : vector<768x768xf32> to vector<768x768xbf16>
    %dot_general3A_135 = arith.constant dense<0.000000e+00> : vector<2x768xf32>
    %dot_general3A_136 = tpu.matmul %convert_element_type3A_133, %convert_element_type3A_134, %dot_general3A_135 {dimension_numbers = #tpu.dot_dimension_numbers<[1], [1], [0], [0], [0, 0, 1, 0], [], []>, transpose_lhs_hint = false} : vector<2x768xbf16>, vector<768x768xbf16>, vector<2x768xf32> -> vector<2x768xf32>
    %get3A_137 = arith.constant 0 : index
    %get3A_138 = arith.constant 0 : index
    %get3A_139 = vector.load %arg6[%get3A_137, %get3A_138] : memref<1x768xf32, #tpu.memory_space<vmem>>, vector<1x768xf32>
    %add3A_140 = vector.broadcast %get3A_139 : vector<1x768xf32> to vector<2x768xf32>
    %add3A_141 = arith.addf %dot_general3A_136, %add3A_140 : vector<2x768xf32>
    %add3A_142 = arith.addf %concatenate3A, %add3A_141 : vector<2x768xf32>
    %get3A_143 = arith.constant 0 : index
    %get3A_144 = arith.constant 0 : index
    %get3A_145 = vector.load %arg7[%get3A_143, %get3A_144] : memref<1x768xf32, #tpu.memory_space<vmem>>, vector<1x768xf32>
    %get3A_146 = arith.constant 0 : index
    %get3A_147 = arith.constant 0 : index
    %get3A_148 = vector.load %arg8[%get3A_146, %get3A_147] : memref<1x768xf32, #tpu.memory_space<vmem>>, vector<1x768xf32>
    %reduce_sum3A_149 = arith.constant dense<0.000000e+00> : vector<2xf32>
    %reduce_sum3A_150 = vector.multi_reduction <add>, %add3A_142, %reduce_sum3A_149 [1] : vector<2x768xf32> to vector<2xf32>
    %broadcast_in_dim3A_151 = vector.shape_cast %reduce_sum3A_150 : vector<2xf32> to vector<2x1xf32>
    %div3A_152 = arith.constant 7.680000e+02 : f32
    %div3A_153 = vector.broadcast %div3A_152 : f32 to vector<2x1xf32>
    %div3A_154 = arith.divf %broadcast_in_dim3A_151, %div3A_153 : vector<2x1xf32>
    %sub3A_155 = vector.broadcast %div3A_154 : vector<2x1xf32> to vector<2x768xf32>
    %sub3A_156 = arith.subf %add3A_142, %sub3A_155 : vector<2x768xf32>
    %mul3A_157 = arith.mulf %sub3A_156, %sub3A_156 : vector<2x768xf32>
    %reduce_sum3A_158 = arith.constant dense<0.000000e+00> : vector<2xf32>
    %reduce_sum3A_159 = vector.multi_reduction <add>, %mul3A_157, %reduce_sum3A_158 [1] : vector<2x768xf32> to vector<2xf32>
    %broadcast_in_dim3A_160 = vector.shape_cast %reduce_sum3A_159 : vector<2xf32> to vector<2x1xf32>
    %div3A_161 = arith.constant 7.680000e+02 : f32
    %div3A_162 = vector.broadcast %div3A_161 : f32 to vector<2x1xf32>
    %div3A_163 = arith.divf %broadcast_in_dim3A_160, %div3A_162 : vector<2x1xf32>
    %add3A_164 = arith.constant 9.99999974E-6 : f32
    %add3A_165 = vector.broadcast %add3A_164 : f32 to vector<2x1xf32>
    %add3A_166 = arith.addf %div3A_163, %add3A_165 : vector<2x1xf32>
    %sqrt3A = math.sqrt %add3A_166 : vector<2x1xf32>
    %div3A_167 = vector.broadcast %sqrt3A : vector<2x1xf32> to vector<2x768xf32>
    %div3A_168 = arith.divf %sub3A_156, %div3A_167 : vector<2x768xf32>
    %mul3A_169 = vector.broadcast %get3A_145 : vector<1x768xf32> to vector<2x768xf32>
    %mul3A_170 = arith.mulf %div3A_168, %mul3A_169 : vector<2x768xf32>
    %add3A_171 = vector.broadcast %get3A_148 : vector<1x768xf32> to vector<2x768xf32>
    %add3A_172 = arith.addf %mul3A_170, %add3A_171 : vector<2x768xf32>
    %get3A_173 = arith.constant 0 : index
    %get3A_174 = arith.constant 0 : index
    %get3A_175 = vector.load %arg9[%get3A_173, %get3A_174] : memref<3072x768xf32, #tpu.memory_space<vmem>>, vector<3072x768xf32>
    %convert_element_type3A_176 = arith.truncf %add3A_172 : vector<2x768xf32> to vector<2x768xbf16>
    %convert_element_type3A_177 = arith.truncf %get3A_175 : vector<3072x768xf32> to vector<3072x768xbf16>
    %dot_general3A_178 = arith.constant dense<0.000000e+00> : vector<2x3072xf32>
    %dot_general3A_179 = tpu.matmul %convert_element_type3A_176, %convert_element_type3A_177, %dot_general3A_178 {dimension_numbers = #tpu.dot_dimension_numbers<[1], [1], [0], [0], [0, 0, 1, 0], [], []>, transpose_lhs_hint = false} : vector<2x768xbf16>, vector<3072x768xbf16>, vector<2x3072xf32> -> vector<2x3072xf32>
    %get3A_180 = arith.constant 0 : index
    %get3A_181 = arith.constant 0 : index
    %get3A_182 = vector.load %arg10[%get3A_180, %get3A_181] : memref<1x3072xf32, #tpu.memory_space<vmem>>, vector<1x3072xf32>
    %add3A_183 = vector.broadcast %get3A_182 : vector<1x3072xf32> to vector<2x3072xf32>
    %add3A_184 = arith.addf %dot_general3A_179, %add3A_183 : vector<2x3072xf32>
    %max3A = arith.constant 0.000000e+00 : f32
    %max3A_185 = vector.broadcast %max3A : f32 to vector<2x3072xf32>
    %max3A_186 = arith.maximumf %add3A_184, %max3A_185 : vector<2x3072xf32>
    %get3A_187 = arith.constant 0 : index
    %get3A_188 = arith.constant 0 : index
    %get3A_189 = vector.load %arg11[%get3A_187, %get3A_188] : memref<768x3072xf32, #tpu.memory_space<vmem>>, vector<768x3072xf32>
    %convert_element_type3A_190 = arith.truncf %max3A_186 : vector<2x3072xf32> to vector<2x3072xbf16>
    %convert_element_type3A_191 = arith.truncf %get3A_189 : vector<768x3072xf32> to vector<768x3072xbf16>
    %dot_general3A_192 = arith.constant dense<0.000000e+00> : vector<2x768xf32>
    %dot_general3A_193 = tpu.matmul %convert_element_type3A_190, %convert_element_type3A_191, %dot_general3A_192 {dimension_numbers = #tpu.dot_dimension_numbers<[1], [1], [0], [0], [0, 0, 1, 0], [], []>, transpose_lhs_hint = false} : vector<2x3072xbf16>, vector<768x3072xbf16>, vector<2x768xf32> -> vector<2x768xf32>
    %get3A_194 = arith.constant 0 : index
    %get3A_195 = arith.constant 0 : index
    %get3A_196 = vector.load %arg12[%get3A_194, %get3A_195] : memref<1x768xf32, #tpu.memory_space<vmem>>, vector<1x768xf32>
    %add3A_197 = vector.broadcast %get3A_196 : vector<1x768xf32> to vector<2x768xf32>
    %add3A_198 = arith.addf %dot_general3A_193, %add3A_197 : vector<2x768xf32>
    %add3A_199 = arith.addf %add3A_172, %add3A_198 : vector<2x768xf32>
    %get3A_200 = arith.constant 0 : index
    %get3A_201 = arith.constant 0 : index
    %get3A_202 = vector.load %arg13[%get3A_200, %get3A_201] : memref<1x768xf32, #tpu.memory_space<vmem>>, vector<1x768xf32>
    %get3A_203 = arith.constant 0 : index
    %get3A_204 = arith.constant 0 : index
    %get3A_205 = vector.load %arg14[%get3A_203, %get3A_204] : memref<1x768xf32, #tpu.memory_space<vmem>>, vector<1x768xf32>
    %reduce_sum3A_206 = arith.constant dense<0.000000e+00> : vector<2xf32>
    %reduce_sum3A_207 = vector.multi_reduction <add>, %add3A_199, %reduce_sum3A_206 [1] : vector<2x768xf32> to vector<2xf32>
    %broadcast_in_dim3A_208 = vector.shape_cast %reduce_sum3A_207 : vector<2xf32> to vector<2x1xf32>
    %div3A_209 = arith.constant 7.680000e+02 : f32
    %div3A_210 = vector.broadcast %div3A_209 : f32 to vector<2x1xf32>
    %div3A_211 = arith.divf %broadcast_in_dim3A_208, %div3A_210 : vector<2x1xf32>
    %sub3A_212 = vector.broadcast %div3A_211 : vector<2x1xf32> to vector<2x768xf32>
    %sub3A_213 = arith.subf %add3A_199, %sub3A_212 : vector<2x768xf32>
    %mul3A_214 = arith.mulf %sub3A_213, %sub3A_213 : vector<2x768xf32>
    %reduce_sum3A_215 = arith.constant dense<0.000000e+00> : vector<2xf32>
    %reduce_sum3A_216 = vector.multi_reduction <add>, %mul3A_214, %reduce_sum3A_215 [1] : vector<2x768xf32> to vector<2xf32>
    %broadcast_in_dim3A_217 = vector.shape_cast %reduce_sum3A_216 : vector<2xf32> to vector<2x1xf32>
    %div3A_218 = arith.constant 7.680000e+02 : f32
    %div3A_219 = vector.broadcast %div3A_218 : f32 to vector<2x1xf32>
    %div3A_220 = arith.divf %broadcast_in_dim3A_217, %div3A_219 : vector<2x1xf32>
    %add3A_221 = arith.constant 9.99999974E-6 : f32
    %add3A_222 = vector.broadcast %add3A_221 : f32 to vector<2x1xf32>
    %add3A_223 = arith.addf %div3A_220, %add3A_222 : vector<2x1xf32>
    %sqrt3A_224 = math.sqrt %add3A_223 : vector<2x1xf32>
    %div3A_225 = vector.broadcast %sqrt3A_224 : vector<2x1xf32> to vector<2x768xf32>
    %div3A_226 = arith.divf %sub3A_213, %div3A_225 : vector<2x768xf32>
    %mul3A_227 = vector.broadcast %get3A_202 : vector<1x768xf32> to vector<2x768xf32>
    %mul3A_228 = arith.mulf %div3A_226, %mul3A_227 : vector<2x768xf32>
    %add3A_229 = vector.broadcast %get3A_205 : vector<1x768xf32> to vector<2x768xf32>
    %add3A_230 = arith.addf %mul3A_228, %add3A_229 : vector<2x768xf32>
    %mul3A_231 = arith.constant 27.7128124 : f32
    %mul3A_232 = vector.broadcast %mul3A_231 : f32 to vector<2x768xf32>
    %mul3A_233 = arith.mulf %add3A_230, %mul3A_232 : vector<2x768xf32>
    %get3A_234 = arith.constant 0 : index
    %get3A_235 = arith.constant 0 : index
    %get3A_236 = vector.load %arg15[%get3A_234, %get3A_235] : memref<256x768xf32, #tpu.memory_space<vmem>>, vector<256x768xf32>
    %convert_element_type3A_237 = arith.truncf %mul3A_233 : vector<2x768xf32> to vector<2x768xbf16>
    %convert_element_type3A_238 = arith.truncf %get3A_236 : vector<256x768xf32> to vector<256x768xbf16>
    %dot_general3A_239 = arith.constant dense<0.000000e+00> : vector<2x256xf32>
    %dot_general3A_240 = tpu.matmul %convert_element_type3A_237, %convert_element_type3A_238, %dot_general3A_239 {dimension_numbers = #tpu.dot_dimension_numbers<[1], [1], [0], [0], [0, 0, 1, 0], [], []>, transpose_lhs_hint = false} : vector<2x768xbf16>, vector<256x768xbf16>, vector<2x256xf32> -> vector<2x256xf32>
    %get3A_241 = arith.constant 0 : index
    %get3A_242 = arith.constant 0 : index
    %get3A_243 = vector.load %arg16[%get3A_241, %get3A_242] : memref<1x256xf32, #tpu.memory_space<vmem>>, vector<1x256xf32>
    %add3A_244 = vector.broadcast %get3A_243 : vector<1x256xf32> to vector<2x256xf32>
    %add3A_245 = arith.addf %dot_general3A_240, %add3A_244 : vector<2x256xf32>
    %reduce_sum3A_246 = arith.constant dense<0.000000e+00> : vector<256xf32>
    %reduce_sum3A_247 = vector.multi_reduction <add>, %add3A_245, %reduce_sum3A_246 [0] : vector<2x256xf32> to vector<256xf32>
    %broadcast_in_dim3A_248 = vector.shape_cast %reduce_sum3A_247 : vector<256xf32> to vector<1x256xf32>
    %div3A_249 = arith.constant 2.000000e+00 : f32
    %div3A_250 = vector.broadcast %div3A_249 : f32 to vector<1x256xf32>
    %div3A_251 = arith.divf %broadcast_in_dim3A_248, %div3A_250 : vector<1x256xf32>
    %reduce_sum3A_252 = vector.shape_cast %div3A_251 : vector<1x256xf32> to vector<1x1x256xf32>
    %reduce_sum3A_253 = arith.constant dense<0.000000e+00> : vector<1xf32>
    %reduce_sum3A_254 = vector.multi_reduction <add>, %reduce_sum3A_252, %reduce_sum3A_253 [1, 2] : vector<1x1x256xf32> to vector<1xf32>
    %reduce_sum3A_255 = vector.shape_cast %reduce_sum3A_254 : vector<1xf32> to vector<1x1x1xf32>
    %reduce_sum3A_256 = vector.extract %reduce_sum3A_255[0, 0, 0] : f32 from vector<1x1x1xf32>
    %div3A_257 = arith.constant 2.560000e+02 : f32
    %div3A_258 = arith.divf %reduce_sum3A_256, %div3A_257 : f32
    %sub3A_259 = vector.broadcast %div3A_258 : f32 to vector<1x256xf32>
    %sub3A_260 = arith.subf %div3A_251, %sub3A_259 : vector<1x256xf32>
    %integer_pow3A = arith.mulf %sub3A_260, %sub3A_260 : vector<1x256xf32>
    %reduce_sum3A_261 = vector.shape_cast %integer_pow3A : vector<1x256xf32> to vector<1x1x256xf32>
    %reduce_sum3A_262 = arith.constant dense<0.000000e+00> : vector<1xf32>
    %reduce_sum3A_263 = vector.multi_reduction <add>, %reduce_sum3A_261, %reduce_sum3A_262 [1, 2] : vector<1x1x256xf32> to vector<1xf32>
    %reduce_sum3A_264 = vector.shape_cast %reduce_sum3A_263 : vector<1xf32> to vector<1x1x1xf32>
    %reduce_sum3A_265 = vector.extract %reduce_sum3A_264[0, 0, 0] : f32 from vector<1x1x1xf32>
    %div3A_266 = arith.constant 2.560000e+02 : f32
    %div3A_267 = arith.divf %reduce_sum3A_265, %div3A_266 : f32
    %sqrt3A_268 = math.sqrt %div3A_267 : f32
    %get3A_269 = arith.constant 0 : index
    %get3A_270 = arith.constant 0 : index
    %get3A_271 = vector.load %arg17[%get3A_269, %get3A_270] : memref<1x256xf32, #tpu.memory_space<vmem>>, vector<1x256xf32>
    %mul3A_272 = vector.broadcast %sqrt3A_268 : f32 to vector<1x256xf32>
    %mul3A_273 = arith.mulf %get3A_271, %mul3A_272 : vector<1x256xf32>
    %add3A_274 = arith.addf %div3A_251, %mul3A_273 : vector<1x256xf32>
    %broadcast_in_dim3A_275 = arith.constant 0.000000e+00 : f32
    %broadcast_in_dim3A_276 = vector.broadcast %broadcast_in_dim3A_275 : f32 to vector<1x768xf32>
    %concatenate3A_277 = tpu.concatenate %add3A_274, %broadcast_in_dim3A_276 in 1 : vector<1x256xf32>, vector<1x768xf32> -> vector<1x1024xf32>
    %iota3A_278 = tpu.iota {dimensions = array<i32: 1>} : vector<1x1024xi32>
    %reduce_max3A_279 = vector.shape_cast %concatenate3A_277 : vector<1x1024xf32> to vector<1x1x1024xf32>
    %reduce_max3A_280 = arith.constant dense<0xFF800000> : vector<1xf32>
    %reduce_max3A_281 = vector.multi_reduction <maximumf>, %reduce_max3A_279, %reduce_max3A_280 [1, 2] : vector<1x1x1024xf32> to vector<1xf32>
    %reduce_max3A_282 = vector.shape_cast %reduce_max3A_281 : vector<1xf32> to vector<1x1x1xf32>
    %reduce_max3A_283 = vector.extract %reduce_max3A_282[0, 0, 0] : f32 from vector<1x1x1xf32>
    %eq3A_284 = vector.broadcast %reduce_max3A_283 : f32 to vector<1x1024xf32>
    %eq3A_285 = arith.cmpf oeq, %concatenate3A_277, %eq3A_284 : vector<1x1024xf32>
    %jit3A_286 = arith.constant 1024 : i32
    %broadcast_in_dim3A_287 = vector.broadcast %jit3A_286 : i32 to vector<1x1024xi32>
    %select_n3A_288 = arith.select %eq3A_285, %iota3A_278, %broadcast_in_dim3A_287 : vector<1x1024xi1>, vector<1x1024xi32>
    %reduce_min3A = vector.shape_cast %select_n3A_288 : vector<1x1024xi32> to vector<1x1x1024xi32>
    %reduce_min3A_289 = arith.constant dense<2147483647> : vector<1xi32>
    %reduce_min3A_290 = vector.multi_reduction <minsi>, %reduce_min3A, %reduce_min3A_289 [1, 2] : vector<1x1x1024xi32> to vector<1xi32>
    %reduce_min3A_291 = vector.shape_cast %reduce_min3A_290 : vector<1xi32> to vector<1x1x1xi32>
    %reduce_min3A_292 = vector.extract %reduce_min3A_291[0, 0, 0] : i32 from vector<1x1x1xi32>
    %eq3A_293 = vector.broadcast %reduce_min3A_292 : i32 to vector<1x1024xi32>
    %eq3A_294 = arith.cmpi eq, %iota3A_278, %eq3A_293 : vector<1x1024xi32>
    %jit3A_295 = arith.constant 0xFF800000 : f32
    %broadcast_in_dim3A_296 = vector.broadcast %jit3A_295 : f32 to vector<1x1024xf32>
    %select_n3A_297 = arith.select %eq3A_294, %broadcast_in_dim3A_296, %concatenate3A_277 : vector<1x1024xi1>, vector<1x1024xf32>
    %reduce_max3A_298 = vector.shape_cast %select_n3A_297 : vector<1x1024xf32> to vector<1x1x1024xf32>
    %reduce_max3A_299 = arith.constant dense<0xFF800000> : vector<1xf32>
    %reduce_max3A_300 = vector.multi_reduction <maximumf>, %reduce_max3A_298, %reduce_max3A_299 [1, 2] : vector<1x1x1024xf32> to vector<1xf32>
    %reduce_max3A_301 = vector.shape_cast %reduce_max3A_300 : vector<1xf32> to vector<1x1x1xf32>
    %reduce_max3A_302 = vector.extract %reduce_max3A_301[0, 0, 0] : f32 from vector<1x1x1xf32>
    %eq3A_303 = vector.broadcast %reduce_max3A_302 : f32 to vector<1x1024xf32>
    %eq3A_304 = arith.cmpf oeq, %select_n3A_297, %eq3A_303 : vector<1x1024xf32>
    %jit3A_305 = arith.constant 1024 : i32
    %broadcast_in_dim3A_306 = vector.broadcast %jit3A_305 : i32 to vector<1x1024xi32>
    %select_n3A_307 = arith.select %eq3A_304, %iota3A_278, %broadcast_in_dim3A_306 : vector<1x1024xi1>, vector<1x1024xi32>
    %reduce_min3A_308 = vector.shape_cast %select_n3A_307 : vector<1x1024xi32> to vector<1x1x1024xi32>
    %reduce_min3A_309 = arith.constant dense<2147483647> : vector<1xi32>
    %reduce_min3A_310 = vector.multi_reduction <minsi>, %reduce_min3A_308, %reduce_min3A_309 [1, 2] : vector<1x1x1024xi32> to vector<1xi32>
    %reduce_min3A_311 = vector.shape_cast %reduce_min3A_310 : vector<1xi32> to vector<1x1x1xi32>
    %reduce_min3A_312 = vector.extract %reduce_min3A_311[0, 0, 0] : i32 from vector<1x1x1xi32>
    %add3A_313 = arith.addf %reduce_max3A_283, %reduce_max3A_302 : f32
    %iota3A_314 = tpu.iota {dimensions = array<i32: 1>} : vector<1x128xi32>
    %eq3A_315 = arith.constant 0 : i32
    %eq3A_316 = vector.broadcast %eq3A_315 : i32 to vector<1x128xi32>
    %eq3A_317 = arith.cmpi eq, %iota3A_314, %eq3A_316 : vector<1x128xi32>
    %div3A_318 = arith.divf %reduce_max3A_283, %add3A_313 : f32
    %eq3A_319 = arith.constant 1 : i32
    %eq3A_320 = vector.broadcast %eq3A_319 : i32 to vector<1x128xi32>
    %eq3A_321 = arith.cmpi eq, %iota3A_314, %eq3A_320 : vector<1x128xi32>
    %div3A_322 = arith.divf %reduce_max3A_302, %add3A_313 : f32
    %jit3A_323 = arith.constant 0.000000e+00 : f32
    %broadcast_in_dim3A_324 = vector.broadcast %div3A_322 : f32 to vector<1x128xf32>
    %broadcast_in_dim3A_325 = vector.broadcast %jit3A_323 : f32 to vector<1x128xf32>
    %select_n3A_326 = arith.select %eq3A_321, %broadcast_in_dim3A_324, %broadcast_in_dim3A_325 : vector<1x128xi1>, vector<1x128xf32>
    %broadcast_in_dim3A_327 = vector.broadcast %div3A_318 : f32 to vector<1x128xf32>
    %select_n3A_328 = arith.select %eq3A_317, %broadcast_in_dim3A_327, %select_n3A_326 : vector<1x128xi1>, vector<1x128xf32>
    %swap3A_329 = arith.constant 0 : index
    %swap3A_330 = arith.constant 0 : index
    %swap3A_331 = vector.load %arg18[%swap3A_329, %swap3A_330] : memref<1x128xf32, #tpu.memory_space<vmem>>, vector<1x128xf32>
    tpu.vector_store %arg18[%swap3A_329, %swap3A_330], %select_n3A_328 {strides = array<i32>} : memref<1x128xf32, #tpu.memory_space<vmem>>, vector<1x128xf32>,
    %eq3A_332 = arith.constant 0 : i32
    %eq3A_333 = vector.broadcast %eq3A_332 : i32 to vector<1x128xi32>
    %eq3A_334 = arith.cmpi eq, %iota3A_314, %eq3A_333 : vector<1x128xi32>
    %eq3A_335 = arith.constant 1 : i32
    %eq3A_336 = vector.broadcast %eq3A_335 : i32 to vector<1x128xi32>
    %eq3A_337 = arith.cmpi eq, %iota3A_314, %eq3A_336 : vector<1x128xi32>
    %jit3A_338 = arith.constant 0 : i32
    %broadcast_in_dim3A_339 = vector.broadcast %reduce_min3A_312 : i32 to vector<1x128xi32>
    %broadcast_in_dim3A_340 = vector.broadcast %jit3A_338 : i32 to vector<1x128xi32>
    %select_n3A_341 = arith.select %eq3A_337, %broadcast_in_dim3A_339, %broadcast_in_dim3A_340 : vector<1x128xi1>, vector<1x128xi32>
    %broadcast_in_dim3A_342 = vector.broadcast %reduce_min3A_292 : i32 to vector<1x128xi32>
    %select_n3A_343 = arith.select %eq3A_334, %broadcast_in_dim3A_342, %select_n3A_341 : vector<1x128xi1>, vector<1x128xi32>
    %swap3A_344 = arith.constant 0 : index
    %swap3A_345 = arith.constant 0 : index
    %swap3A_346 = vector.load %arg19[%swap3A_344, %swap3A_345] : memref<1x128xi32, #tpu.memory_space<vmem>>, vector<1x128xi32>
    tpu.vector_store %arg19[%swap3A_344, %swap3A_345], %select_n3A_343 {strides = array<i32>} : memref<1x128xi32, #tpu.memory_space<vmem>>, vector<1x128xi32>,
    return
  }
}

module attributes {stable_mosaic.version = 14 : i64} {
  func.func @_encoder_body(%arg0: i32, %arg1: i32, %arg2: memref<3x2xf32, #tpu.memory_space<smem>>, %arg3: memref<1x1x512x768xbf16, #tpu.memory_space<vmem>>, %arg4: memref<1x1x512x768xbf16, #tpu.memory_space<vmem>>, %arg5: memref<2304x768xbf16, #tpu.memory_space<vmem>>, %arg6: memref<1x2304xf32, #tpu.memory_space<vmem>>, %arg7: memref<768x768xbf16, #tpu.memory_space<vmem>>, %arg8: memref<1x768xf32, #tpu.memory_space<vmem>>, %arg9: memref<1x768xf32, #tpu.memory_space<vmem>>, %arg10: memref<1x768xf32, #tpu.memory_space<vmem>>, %arg11: memref<3072x768xbf16, #tpu.memory_space<vmem>>, %arg12: memref<1x3072xf32, #tpu.memory_space<vmem>>, %arg13: memref<768x3072xbf16, #tpu.memory_space<vmem>>, %arg14: memref<1x768xf32, #tpu.memory_space<vmem>>, %arg15: memref<1x768xf32, #tpu.memory_space<vmem>>, %arg16: memref<1x768xf32, #tpu.memory_space<vmem>>, %arg17: memref<1x1x512x768xf32, #tpu.memory_space<vmem>>, %arg18: memref<512x2304xf32, #tpu.memory_space<vmem>>, %arg19: memref<512x768xf32, #tpu.memory_space<vmem>>) attributes {dimension_semantics = [#tpu.dimension_semantics<arbitrary>, #tpu.dimension_semantics<arbitrary>], iteration_bounds = array<i64: 3, 2>, scalar_prefetch = 0 : i64, scratch_operands = 2 : i64, tpu.core_type = #tpu.core_type<tc>, window_params = [{transform_indices = @transform_0, window_bounds = array<i64: 3, 2>}, {transform_indices = @transform_1, window_bounds = array<i64: 1, 1, 512, 768>}, {transform_indices = @transform_2, window_bounds = array<i64: 1, 1, 512, 768>}, {pipeline_mode = #tpu.pipeline_mode<synchronous>, transform_indices = @transform_3, window_bounds = array<i64: 2304, 768>}, {pipeline_mode = #tpu.pipeline_mode<synchronous>, transform_indices = @transform_4, window_bounds = array<i64: 1, 2304>}, {pipeline_mode = #tpu.pipeline_mode<synchronous>, transform_indices = @transform_5, window_bounds = array<i64: 768, 768>}, {pipeline_mode = #tpu.pipeline_mode<synchronous>, transform_indices = @transform_6, window_bounds = array<i64: 1, 768>}, {pipeline_mode = #tpu.pipeline_mode<synchronous>, transform_indices = @transform_7, window_bounds = array<i64: 1, 768>}, {pipeline_mode = #tpu.pipeline_mode<synchronous>, transform_indices = @transform_8, window_bounds = array<i64: 1, 768>}, {pipeline_mode = #tpu.pipeline_mode<synchronous>, transform_indices = @transform_9, window_bounds = array<i64: 3072, 768>}, {pipeline_mode = #tpu.pipeline_mode<synchronous>, transform_indices = @transform_10, window_bounds = array<i64: 1, 3072>}, {pipeline_mode = #tpu.pipeline_mode<synchronous>, transform_indices = @transform_11, window_bounds = array<i64: 768, 3072>}, {pipeline_mode = #tpu.pipeline_mode<synchronous>, transform_indices = @transform_12, window_bounds = array<i64: 1, 768>}, {pipeline_mode = #tpu.pipeline_mode<synchronous>, transform_indices = @transform_13, window_bounds = array<i64: 1, 768>}, {pipeline_mode = #tpu.pipeline_mode<synchronous>, transform_indices = @transform_14, window_bounds = array<i64: 1, 768>}, {transform_indices = @transform_15, window_bounds = array<i64: 1, 1, 512, 768>}]} {
    %get3A = arith.index_cast %arg0 : i32 to index
    %get3A_0 = arith.constant 0 : index
    %get3A_1 = memref.load %arg2[%get3A, %get3A_0] : memref<3x2xf32, #tpu.memory_space<smem>>
    %get3A_2 = arith.index_cast %arg0 : i32 to index
    %get3A_3 = arith.constant 1 : index
    %get3A_4 = memref.load %arg2[%get3A_2, %get3A_3] : memref<3x2xf32, #tpu.memory_space<smem>>
    %get3A_5 = arith.constant 0 : index
    %get3A_6 = arith.constant 0 : index
    %get3A_7 = arith.constant 0 : index
    %get3A_8 = arith.constant 0 : index
    %get3A_9 = vector.load %arg3[%get3A_5, %get3A_6, %get3A_7, %get3A_8] : memref<1x1x512x768xbf16, #tpu.memory_space<vmem>>, vector<1x1x512x768xbf16>
    %get3A_10 = vector.shape_cast %get3A_9 : vector<1x1x512x768xbf16> to vector<512x768xbf16>
    %convert_element_type3A = arith.extf %get3A_10 : vector<512x768xbf16> to vector<512x768xf32>
    %mul3A = vector.broadcast %get3A_1 : f32 to vector<512x768xf32>
    %mul3A_11 = arith.mulf %convert_element_type3A, %mul3A : vector<512x768xf32>
    %get3A_12 = arith.constant 0 : index
    %get3A_13 = arith.constant 0 : index
    %get3A_14 = arith.constant 0 : index
    %get3A_15 = arith.constant 0 : index
    %get3A_16 = vector.load %arg4[%get3A_12, %get3A_13, %get3A_14, %get3A_15] : memref<1x1x512x768xbf16, #tpu.memory_space<vmem>>, vector<1x1x512x768xbf16>
    %get3A_17 = vector.shape_cast %get3A_16 : vector<1x1x512x768xbf16> to vector<512x768xbf16>
    %convert_element_type3A_18 = arith.extf %get3A_17 : vector<512x768xbf16> to vector<512x768xf32>
    %mul3A_19 = vector.broadcast %get3A_4 : f32 to vector<512x768xf32>
    %mul3A_20 = arith.mulf %convert_element_type3A_18, %mul3A_19 : vector<512x768xf32>
    %add3A = arith.addf %mul3A_11, %mul3A_20 : vector<512x768xf32>
    %get3A_21 = arith.constant 0 : index
    %get3A_22 = arith.constant 0 : index
    %get3A_23 = vector.load %arg5[%get3A_21, %get3A_22] : memref<2304x768xbf16, #tpu.memory_space<vmem>>, vector<2304x768xbf16>
    %convert_element_type3A_24 = arith.truncf %add3A : vector<512x768xf32> to vector<512x768xbf16>
    %dot_general3A = arith.constant dense<0.000000e+00> : vector<512x2304xf32>
    %dot_general3A_25 = tpu.matmul %convert_element_type3A_24, %get3A_23, %dot_general3A {dimension_numbers = #tpu.dot_dimension_numbers<[1], [1], [0], [0], [0, 0, 1, 0], [], []>, transpose_lhs_hint = false} : vector<512x768xbf16>, vector<2304x768xbf16>, vector<512x2304xf32> -> vector<512x2304xf32>
    %get3A_26 = arith.constant 0 : index
    %get3A_27 = arith.constant 0 : index
    %get3A_28 = vector.load %arg6[%get3A_26, %get3A_27] : memref<1x2304xf32, #tpu.memory_space<vmem>>, vector<1x2304xf32>
    %add3A_29 = vector.broadcast %get3A_28 : vector<1x2304xf32> to vector<512x2304xf32>
    %add3A_30 = arith.addf %dot_general3A_25, %add3A_29 : vector<512x2304xf32>
    %swap3A = arith.constant 0 : index
    %swap3A_31 = arith.constant 0 : index
    %swap3A_32 = vector.load %arg18[%swap3A, %swap3A_31] : memref<512x2304xf32, #tpu.memory_space<vmem>>, vector<512x2304xf32>
    tpu.vector_store %arg18[%swap3A, %swap3A_31], %add3A_30 {strides = array<i32>} : memref<512x2304xf32, #tpu.memory_space<vmem>>, vector<512x2304xf32>,
    %get3A_33 = arith.constant 0 : index
    %get3A_34 = arith.constant 0 : index
    %get3A_35 = vector.load %arg18[%get3A_33, %get3A_34] : memref<512x2304xf32, #tpu.memory_space<vmem>>, vector<512x64xf32>
    %get3A_36 = arith.constant 0 : index
    %get3A_37 = arith.constant 768 : index
    %get3A_38 = vector.load %arg18[%get3A_36, %get3A_37] : memref<512x2304xf32, #tpu.memory_space<vmem>>, vector<512x64xf32>
    %get3A_39 = arith.constant 0 : index
    %get3A_40 = arith.constant 1536 : index
    %get3A_41 = vector.load %arg18[%get3A_39, %get3A_40] : memref<512x2304xf32, #tpu.memory_space<vmem>>, vector<512x64xf32>
    %convert_element_type3A_42 = arith.truncf %get3A_35 : vector<512x64xf32> to vector<512x64xbf16>
    %convert_element_type3A_43 = arith.truncf %get3A_38 : vector<512x64xf32> to vector<512x64xbf16>
    %dot_general3A_44 = arith.constant dense<0.000000e+00> : vector<512x512xf32>
    %dot_general3A_45 = tpu.matmul %convert_element_type3A_42, %convert_element_type3A_43, %dot_general3A_44 {dimension_numbers = #tpu.dot_dimension_numbers<[1], [1], [0], [0], [0, 0, 1, 0], [], []>, transpose_lhs_hint = false} : vector<512x64xbf16>, vector<512x64xbf16>, vector<512x512xf32> -> vector<512x512xf32>
    %mul3A_46 = arith.constant 1.250000e-01 : f32
    %mul3A_47 = vector.broadcast %mul3A_46 : f32 to vector<512x512xf32>
    %mul3A_48 = arith.mulf %dot_general3A_45, %mul3A_47 : vector<512x512xf32>
    %reduce_max3A = arith.constant dense<0xFF800000> : vector<512xf32>
    %reduce_max3A_49 = vector.multi_reduction <maximumf>, %mul3A_48, %reduce_max3A [1] : vector<512x512xf32> to vector<512xf32>
    %broadcast_in_dim3A = vector.shape_cast %reduce_max3A_49 : vector<512xf32> to vector<512x1xf32>
    %sub3A = vector.broadcast %broadcast_in_dim3A : vector<512x1xf32> to vector<512x512xf32>
    %sub3A_50 = arith.subf %mul3A_48, %sub3A : vector<512x512xf32>
    %exp3A = math.exp %sub3A_50 : vector<512x512xf32>
    %reduce_sum3A = arith.constant dense<0.000000e+00> : vector<512xf32>
    %reduce_sum3A_51 = vector.multi_reduction <add>, %exp3A, %reduce_sum3A [1] : vector<512x512xf32> to vector<512xf32>
    %broadcast_in_dim3A_52 = vector.shape_cast %reduce_sum3A_51 : vector<512xf32> to vector<512x1xf32>
    %div3A = vector.broadcast %broadcast_in_dim3A_52 : vector<512x1xf32> to vector<512x512xf32>
    %div3A_53 = arith.divf %exp3A, %div3A : vector<512x512xf32>
    %convert_element_type3A_54 = arith.truncf %div3A_53 : vector<512x512xf32> to vector<512x512xbf16>
    %convert_element_type3A_55 = arith.truncf %get3A_41 : vector<512x64xf32> to vector<512x64xbf16>
    %dot_general3A_56 = arith.constant dense<0.000000e+00> : vector<512x64xf32>
    %dot_general3A_57 = tpu.matmul %convert_element_type3A_54, %convert_element_type3A_55, %dot_general3A_56 {dimension_numbers = #tpu.dot_dimension_numbers<[1], [0], [0], [1], [0, 0, 1, 1], [], []>, transpose_lhs_hint = false} : vector<512x512xbf16>, vector<512x64xbf16>, vector<512x64xf32> -> vector<512x64xf32>
    %swap3A_58 = arith.constant 0 : index
    %swap3A_59 = arith.constant 0 : index
    %swap3A_60 = vector.load %arg19[%swap3A_58, %swap3A_59] : memref<512x768xf32, #tpu.memory_space<vmem>>, vector<512x64xf32>
    tpu.vector_store %arg19[%swap3A_58, %swap3A_59], %dot_general3A_57 {strides = array<i32>} : memref<512x768xf32, #tpu.memory_space<vmem>>, vector<512x64xf32>,
    %get3A_61 = arith.constant 0 : index
    %get3A_62 = arith.constant 64 : index
    %get3A_63 = vector.load %arg18[%get3A_61, %get3A_62] : memref<512x2304xf32, #tpu.memory_space<vmem>>, vector<512x64xf32>
    %get3A_64 = arith.constant 0 : index
    %get3A_65 = arith.constant 832 : index
    %get3A_66 = vector.load %arg18[%get3A_64, %get3A_65] : memref<512x2304xf32, #tpu.memory_space<vmem>>, vector<512x64xf32>
    %get3A_67 = arith.constant 0 : index
    %get3A_68 = arith.constant 1600 : index
    %get3A_69 = vector.load %arg18[%get3A_67, %get3A_68] : memref<512x2304xf32, #tpu.memory_space<vmem>>, vector<512x64xf32>
    %convert_element_type3A_70 = arith.truncf %get3A_63 : vector<512x64xf32> to vector<512x64xbf16>
    %convert_element_type3A_71 = arith.truncf %get3A_66 : vector<512x64xf32> to vector<512x64xbf16>
    %dot_general3A_72 = arith.constant dense<0.000000e+00> : vector<512x512xf32>
    %dot_general3A_73 = tpu.matmul %convert_element_type3A_70, %convert_element_type3A_71, %dot_general3A_72 {dimension_numbers = #tpu.dot_dimension_numbers<[1], [1], [0], [0], [0, 0, 1, 0], [], []>, transpose_lhs_hint = false} : vector<512x64xbf16>, vector<512x64xbf16>, vector<512x512xf32> -> vector<512x512xf32>
    %mul3A_74 = arith.constant 1.250000e-01 : f32
    %mul3A_75 = vector.broadcast %mul3A_74 : f32 to vector<512x512xf32>
    %mul3A_76 = arith.mulf %dot_general3A_73, %mul3A_75 : vector<512x512xf32>
    %reduce_max3A_77 = arith.constant dense<0xFF800000> : vector<512xf32>
    %reduce_max3A_78 = vector.multi_reduction <maximumf>, %mul3A_76, %reduce_max3A_77 [1] : vector<512x512xf32> to vector<512xf32>
    %broadcast_in_dim3A_79 = vector.shape_cast %reduce_max3A_78 : vector<512xf32> to vector<512x1xf32>
    %sub3A_80 = vector.broadcast %broadcast_in_dim3A_79 : vector<512x1xf32> to vector<512x512xf32>
    %sub3A_81 = arith.subf %mul3A_76, %sub3A_80 : vector<512x512xf32>
    %exp3A_82 = math.exp %sub3A_81 : vector<512x512xf32>
    %reduce_sum3A_83 = arith.constant dense<0.000000e+00> : vector<512xf32>
    %reduce_sum3A_84 = vector.multi_reduction <add>, %exp3A_82, %reduce_sum3A_83 [1] : vector<512x512xf32> to vector<512xf32>
    %broadcast_in_dim3A_85 = vector.shape_cast %reduce_sum3A_84 : vector<512xf32> to vector<512x1xf32>
    %div3A_86 = vector.broadcast %broadcast_in_dim3A_85 : vector<512x1xf32> to vector<512x512xf32>
    %div3A_87 = arith.divf %exp3A_82, %div3A_86 : vector<512x512xf32>
    %convert_element_type3A_88 = arith.truncf %div3A_87 : vector<512x512xf32> to vector<512x512xbf16>
    %convert_element_type3A_89 = arith.truncf %get3A_69 : vector<512x64xf32> to vector<512x64xbf16>
    %dot_general3A_90 = arith.constant dense<0.000000e+00> : vector<512x64xf32>
    %dot_general3A_91 = tpu.matmul %convert_element_type3A_88, %convert_element_type3A_89, %dot_general3A_90 {dimension_numbers = #tpu.dot_dimension_numbers<[1], [0], [0], [1], [0, 0, 1, 1], [], []>, transpose_lhs_hint = false} : vector<512x512xbf16>, vector<512x64xbf16>, vector<512x64xf32> -> vector<512x64xf32>
    %swap3A_92 = arith.constant 0 : index
    %swap3A_93 = arith.constant 64 : index
    %swap3A_94 = vector.load %arg19[%swap3A_92, %swap3A_93] : memref<512x768xf32, #tpu.memory_space<vmem>>, vector<512x64xf32>
    tpu.vector_store %arg19[%swap3A_92, %swap3A_93], %dot_general3A_91 {strides = array<i32>} : memref<512x768xf32, #tpu.memory_space<vmem>>, vector<512x64xf32>,
    %get3A_95 = arith.constant 0 : index
    %get3A_96 = arith.constant 128 : index
    %get3A_97 = vector.load %arg18[%get3A_95, %get3A_96] : memref<512x2304xf32, #tpu.memory_space<vmem>>, vector<512x64xf32>
    %get3A_98 = arith.constant 0 : index
    %get3A_99 = arith.constant 896 : index
    %get3A_100 = vector.load %arg18[%get3A_98, %get3A_99] : memref<512x2304xf32, #tpu.memory_space<vmem>>, vector<512x64xf32>
    %get3A_101 = arith.constant 0 : index
    %get3A_102 = arith.constant 1664 : index
    %get3A_103 = vector.load %arg18[%get3A_101, %get3A_102] : memref<512x2304xf32, #tpu.memory_space<vmem>>, vector<512x64xf32>
    %convert_element_type3A_104 = arith.truncf %get3A_97 : vector<512x64xf32> to vector<512x64xbf16>
    %convert_element_type3A_105 = arith.truncf %get3A_100 : vector<512x64xf32> to vector<512x64xbf16>
    %dot_general3A_106 = arith.constant dense<0.000000e+00> : vector<512x512xf32>
    %dot_general3A_107 = tpu.matmul %convert_element_type3A_104, %convert_element_type3A_105, %dot_general3A_106 {dimension_numbers = #tpu.dot_dimension_numbers<[1], [1], [0], [0], [0, 0, 1, 0], [], []>, transpose_lhs_hint = false} : vector<512x64xbf16>, vector<512x64xbf16>, vector<512x512xf32> -> vector<512x512xf32>
    %mul3A_108 = arith.constant 1.250000e-01 : f32
    %mul3A_109 = vector.broadcast %mul3A_108 : f32 to vector<512x512xf32>
    %mul3A_110 = arith.mulf %dot_general3A_107, %mul3A_109 : vector<512x512xf32>
    %reduce_max3A_111 = arith.constant dense<0xFF800000> : vector<512xf32>
    %reduce_max3A_112 = vector.multi_reduction <maximumf>, %mul3A_110, %reduce_max3A_111 [1] : vector<512x512xf32> to vector<512xf32>
    %broadcast_in_dim3A_113 = vector.shape_cast %reduce_max3A_112 : vector<512xf32> to vector<512x1xf32>
    %sub3A_114 = vector.broadcast %broadcast_in_dim3A_113 : vector<512x1xf32> to vector<512x512xf32>
    %sub3A_115 = arith.subf %mul3A_110, %sub3A_114 : vector<512x512xf32>
    %exp3A_116 = math.exp %sub3A_115 : vector<512x512xf32>
    %reduce_sum3A_117 = arith.constant dense<0.000000e+00> : vector<512xf32>
    %reduce_sum3A_118 = vector.multi_reduction <add>, %exp3A_116, %reduce_sum3A_117 [1] : vector<512x512xf32> to vector<512xf32>
    %broadcast_in_dim3A_119 = vector.shape_cast %reduce_sum3A_118 : vector<512xf32> to vector<512x1xf32>
    %div3A_120 = vector.broadcast %broadcast_in_dim3A_119 : vector<512x1xf32> to vector<512x512xf32>
    %div3A_121 = arith.divf %exp3A_116, %div3A_120 : vector<512x512xf32>
    %convert_element_type3A_122 = arith.truncf %div3A_121 : vector<512x512xf32> to vector<512x512xbf16>
    %convert_element_type3A_123 = arith.truncf %get3A_103 : vector<512x64xf32> to vector<512x64xbf16>
    %dot_general3A_124 = arith.constant dense<0.000000e+00> : vector<512x64xf32>
    %dot_general3A_125 = tpu.matmul %convert_element_type3A_122, %convert_element_type3A_123, %dot_general3A_124 {dimension_numbers = #tpu.dot_dimension_numbers<[1], [0], [0], [1], [0, 0, 1, 1], [], []>, transpose_lhs_hint = false} : vector<512x512xbf16>, vector<512x64xbf16>, vector<512x64xf32> -> vector<512x64xf32>
    %swap3A_126 = arith.constant 0 : index
    %swap3A_127 = arith.constant 128 : index
    %swap3A_128 = vector.load %arg19[%swap3A_126, %swap3A_127] : memref<512x768xf32, #tpu.memory_space<vmem>>, vector<512x64xf32>
    tpu.vector_store %arg19[%swap3A_126, %swap3A_127], %dot_general3A_125 {strides = array<i32>} : memref<512x768xf32, #tpu.memory_space<vmem>>, vector<512x64xf32>,
    %get3A_129 = arith.constant 0 : index
    %get3A_130 = arith.constant 192 : index
    %get3A_131 = vector.load %arg18[%get3A_129, %get3A_130] : memref<512x2304xf32, #tpu.memory_space<vmem>>, vector<512x64xf32>
    %get3A_132 = arith.constant 0 : index
    %get3A_133 = arith.constant 960 : index
    %get3A_134 = vector.load %arg18[%get3A_132, %get3A_133] : memref<512x2304xf32, #tpu.memory_space<vmem>>, vector<512x64xf32>
    %get3A_135 = arith.constant 0 : index
    %get3A_136 = arith.constant 1728 : index
    %get3A_137 = vector.load %arg18[%get3A_135, %get3A_136] : memref<512x2304xf32, #tpu.memory_space<vmem>>, vector<512x64xf32>
    %convert_element_type3A_138 = arith.truncf %get3A_131 : vector<512x64xf32> to vector<512x64xbf16>
    %convert_element_type3A_139 = arith.truncf %get3A_134 : vector<512x64xf32> to vector<512x64xbf16>
    %dot_general3A_140 = arith.constant dense<0.000000e+00> : vector<512x512xf32>
    %dot_general3A_141 = tpu.matmul %convert_element_type3A_138, %convert_element_type3A_139, %dot_general3A_140 {dimension_numbers = #tpu.dot_dimension_numbers<[1], [1], [0], [0], [0, 0, 1, 0], [], []>, transpose_lhs_hint = false} : vector<512x64xbf16>, vector<512x64xbf16>, vector<512x512xf32> -> vector<512x512xf32>
    %mul3A_142 = arith.constant 1.250000e-01 : f32
    %mul3A_143 = vector.broadcast %mul3A_142 : f32 to vector<512x512xf32>
    %mul3A_144 = arith.mulf %dot_general3A_141, %mul3A_143 : vector<512x512xf32>
    %reduce_max3A_145 = arith.constant dense<0xFF800000> : vector<512xf32>
    %reduce_max3A_146 = vector.multi_reduction <maximumf>, %mul3A_144, %reduce_max3A_145 [1] : vector<512x512xf32> to vector<512xf32>
    %broadcast_in_dim3A_147 = vector.shape_cast %reduce_max3A_146 : vector<512xf32> to vector<512x1xf32>
    %sub3A_148 = vector.broadcast %broadcast_in_dim3A_147 : vector<512x1xf32> to vector<512x512xf32>
    %sub3A_149 = arith.subf %mul3A_144, %sub3A_148 : vector<512x512xf32>
    %exp3A_150 = math.exp %sub3A_149 : vector<512x512xf32>
    %reduce_sum3A_151 = arith.constant dense<0.000000e+00> : vector<512xf32>
    %reduce_sum3A_152 = vector.multi_reduction <add>, %exp3A_150, %reduce_sum3A_151 [1] : vector<512x512xf32> to vector<512xf32>
    %broadcast_in_dim3A_153 = vector.shape_cast %reduce_sum3A_152 : vector<512xf32> to vector<512x1xf32>
    %div3A_154 = vector.broadcast %broadcast_in_dim3A_153 : vector<512x1xf32> to vector<512x512xf32>
    %div3A_155 = arith.divf %exp3A_150, %div3A_154 : vector<512x512xf32>
    %convert_element_type3A_156 = arith.truncf %div3A_155 : vector<512x512xf32> to vector<512x512xbf16>
    %convert_element_type3A_157 = arith.truncf %get3A_137 : vector<512x64xf32> to vector<512x64xbf16>
    %dot_general3A_158 = arith.constant dense<0.000000e+00> : vector<512x64xf32>
    %dot_general3A_159 = tpu.matmul %convert_element_type3A_156, %convert_element_type3A_157, %dot_general3A_158 {dimension_numbers = #tpu.dot_dimension_numbers<[1], [0], [0], [1], [0, 0, 1, 1], [], []>, transpose_lhs_hint = false} : vector<512x512xbf16>, vector<512x64xbf16>, vector<512x64xf32> -> vector<512x64xf32>
    %swap3A_160 = arith.constant 0 : index
    %swap3A_161 = arith.constant 192 : index
    %swap3A_162 = vector.load %arg19[%swap3A_160, %swap3A_161] : memref<512x768xf32, #tpu.memory_space<vmem>>, vector<512x64xf32>
    tpu.vector_store %arg19[%swap3A_160, %swap3A_161], %dot_general3A_159 {strides = array<i32>} : memref<512x768xf32, #tpu.memory_space<vmem>>, vector<512x64xf32>,
    %get3A_163 = arith.constant 0 : index
    %get3A_164 = arith.constant 256 : index
    %get3A_165 = vector.load %arg18[%get3A_163, %get3A_164] : memref<512x2304xf32, #tpu.memory_space<vmem>>, vector<512x64xf32>
    %get3A_166 = arith.constant 0 : index
    %get3A_167 = arith.constant 1024 : index
    %get3A_168 = vector.load %arg18[%get3A_166, %get3A_167] : memref<512x2304xf32, #tpu.memory_space<vmem>>, vector<512x64xf32>
    %get3A_169 = arith.constant 0 : index
    %get3A_170 = arith.constant 1792 : index
    %get3A_171 = vector.load %arg18[%get3A_169, %get3A_170] : memref<512x2304xf32, #tpu.memory_space<vmem>>, vector<512x64xf32>
    %convert_element_type3A_172 = arith.truncf %get3A_165 : vector<512x64xf32> to vector<512x64xbf16>
    %convert_element_type3A_173 = arith.truncf %get3A_168 : vector<512x64xf32> to vector<512x64xbf16>
    %dot_general3A_174 = arith.constant dense<0.000000e+00> : vector<512x512xf32>
    %dot_general3A_175 = tpu.matmul %convert_element_type3A_172, %convert_element_type3A_173, %dot_general3A_174 {dimension_numbers = #tpu.dot_dimension_numbers<[1], [1], [0], [0], [0, 0, 1, 0], [], []>, transpose_lhs_hint = false} : vector<512x64xbf16>, vector<512x64xbf16>, vector<512x512xf32> -> vector<512x512xf32>
    %mul3A_176 = arith.constant 1.250000e-01 : f32
    %mul3A_177 = vector.broadcast %mul3A_176 : f32 to vector<512x512xf32>
    %mul3A_178 = arith.mulf %dot_general3A_175, %mul3A_177 : vector<512x512xf32>
    %reduce_max3A_179 = arith.constant dense<0xFF800000> : vector<512xf32>
    %reduce_max3A_180 = vector.multi_reduction <maximumf>, %mul3A_178, %reduce_max3A_179 [1] : vector<512x512xf32> to vector<512xf32>
    %broadcast_in_dim3A_181 = vector.shape_cast %reduce_max3A_180 : vector<512xf32> to vector<512x1xf32>
    %sub3A_182 = vector.broadcast %broadcast_in_dim3A_181 : vector<512x1xf32> to vector<512x512xf32>
    %sub3A_183 = arith.subf %mul3A_178, %sub3A_182 : vector<512x512xf32>
    %exp3A_184 = math.exp %sub3A_183 : vector<512x512xf32>
    %reduce_sum3A_185 = arith.constant dense<0.000000e+00> : vector<512xf32>
    %reduce_sum3A_186 = vector.multi_reduction <add>, %exp3A_184, %reduce_sum3A_185 [1] : vector<512x512xf32> to vector<512xf32>
    %broadcast_in_dim3A_187 = vector.shape_cast %reduce_sum3A_186 : vector<512xf32> to vector<512x1xf32>
    %div3A_188 = vector.broadcast %broadcast_in_dim3A_187 : vector<512x1xf32> to vector<512x512xf32>
    %div3A_189 = arith.divf %exp3A_184, %div3A_188 : vector<512x512xf32>
    %convert_element_type3A_190 = arith.truncf %div3A_189 : vector<512x512xf32> to vector<512x512xbf16>
    %convert_element_type3A_191 = arith.truncf %get3A_171 : vector<512x64xf32> to vector<512x64xbf16>
    %dot_general3A_192 = arith.constant dense<0.000000e+00> : vector<512x64xf32>
    %dot_general3A_193 = tpu.matmul %convert_element_type3A_190, %convert_element_type3A_191, %dot_general3A_192 {dimension_numbers = #tpu.dot_dimension_numbers<[1], [0], [0], [1], [0, 0, 1, 1], [], []>, transpose_lhs_hint = false} : vector<512x512xbf16>, vector<512x64xbf16>, vector<512x64xf32> -> vector<512x64xf32>
    %swap3A_194 = arith.constant 0 : index
    %swap3A_195 = arith.constant 256 : index
    %swap3A_196 = vector.load %arg19[%swap3A_194, %swap3A_195] : memref<512x768xf32, #tpu.memory_space<vmem>>, vector<512x64xf32>
    tpu.vector_store %arg19[%swap3A_194, %swap3A_195], %dot_general3A_193 {strides = array<i32>} : memref<512x768xf32, #tpu.memory_space<vmem>>, vector<512x64xf32>,
    %get3A_197 = arith.constant 0 : index
    %get3A_198 = arith.constant 320 : index
    %get3A_199 = vector.load %arg18[%get3A_197, %get3A_198] : memref<512x2304xf32, #tpu.memory_space<vmem>>, vector<512x64xf32>
    %get3A_200 = arith.constant 0 : index
    %get3A_201 = arith.constant 1088 : index
    %get3A_202 = vector.load %arg18[%get3A_200, %get3A_201] : memref<512x2304xf32, #tpu.memory_space<vmem>>, vector<512x64xf32>
    %get3A_203 = arith.constant 0 : index
    %get3A_204 = arith.constant 1856 : index
    %get3A_205 = vector.load %arg18[%get3A_203, %get3A_204] : memref<512x2304xf32, #tpu.memory_space<vmem>>, vector<512x64xf32>
    %convert_element_type3A_206 = arith.truncf %get3A_199 : vector<512x64xf32> to vector<512x64xbf16>
    %convert_element_type3A_207 = arith.truncf %get3A_202 : vector<512x64xf32> to vector<512x64xbf16>
    %dot_general3A_208 = arith.constant dense<0.000000e+00> : vector<512x512xf32>
    %dot_general3A_209 = tpu.matmul %convert_element_type3A_206, %convert_element_type3A_207, %dot_general3A_208 {dimension_numbers = #tpu.dot_dimension_numbers<[1], [1], [0], [0], [0, 0, 1, 0], [], []>, transpose_lhs_hint = false} : vector<512x64xbf16>, vector<512x64xbf16>, vector<512x512xf32> -> vector<512x512xf32>
    %mul3A_210 = arith.constant 1.250000e-01 : f32
    %mul3A_211 = vector.broadcast %mul3A_210 : f32 to vector<512x512xf32>
    %mul3A_212 = arith.mulf %dot_general3A_209, %mul3A_211 : vector<512x512xf32>
    %reduce_max3A_213 = arith.constant dense<0xFF800000> : vector<512xf32>
    %reduce_max3A_214 = vector.multi_reduction <maximumf>, %mul3A_212, %reduce_max3A_213 [1] : vector<512x512xf32> to vector<512xf32>
    %broadcast_in_dim3A_215 = vector.shape_cast %reduce_max3A_214 : vector<512xf32> to vector<512x1xf32>
    %sub3A_216 = vector.broadcast %broadcast_in_dim3A_215 : vector<512x1xf32> to vector<512x512xf32>
    %sub3A_217 = arith.subf %mul3A_212, %sub3A_216 : vector<512x512xf32>
    %exp3A_218 = math.exp %sub3A_217 : vector<512x512xf32>
    %reduce_sum3A_219 = arith.constant dense<0.000000e+00> : vector<512xf32>
    %reduce_sum3A_220 = vector.multi_reduction <add>, %exp3A_218, %reduce_sum3A_219 [1] : vector<512x512xf32> to vector<512xf32>
    %broadcast_in_dim3A_221 = vector.shape_cast %reduce_sum3A_220 : vector<512xf32> to vector<512x1xf32>
    %div3A_222 = vector.broadcast %broadcast_in_dim3A_221 : vector<512x1xf32> to vector<512x512xf32>
    %div3A_223 = arith.divf %exp3A_218, %div3A_222 : vector<512x512xf32>
    %convert_element_type3A_224 = arith.truncf %div3A_223 : vector<512x512xf32> to vector<512x512xbf16>
    %convert_element_type3A_225 = arith.truncf %get3A_205 : vector<512x64xf32> to vector<512x64xbf16>
    %dot_general3A_226 = arith.constant dense<0.000000e+00> : vector<512x64xf32>
    %dot_general3A_227 = tpu.matmul %convert_element_type3A_224, %convert_element_type3A_225, %dot_general3A_226 {dimension_numbers = #tpu.dot_dimension_numbers<[1], [0], [0], [1], [0, 0, 1, 1], [], []>, transpose_lhs_hint = false} : vector<512x512xbf16>, vector<512x64xbf16>, vector<512x64xf32> -> vector<512x64xf32>
    %swap3A_228 = arith.constant 0 : index
    %swap3A_229 = arith.constant 320 : index
    %swap3A_230 = vector.load %arg19[%swap3A_228, %swap3A_229] : memref<512x768xf32, #tpu.memory_space<vmem>>, vector<512x64xf32>
    tpu.vector_store %arg19[%swap3A_228, %swap3A_229], %dot_general3A_227 {strides = array<i32>} : memref<512x768xf32, #tpu.memory_space<vmem>>, vector<512x64xf32>,
    %get3A_231 = arith.constant 0 : index
    %get3A_232 = arith.constant 384 : index
    %get3A_233 = vector.load %arg18[%get3A_231, %get3A_232] : memref<512x2304xf32, #tpu.memory_space<vmem>>, vector<512x64xf32>
    %get3A_234 = arith.constant 0 : index
    %get3A_235 = arith.constant 1152 : index
    %get3A_236 = vector.load %arg18[%get3A_234, %get3A_235] : memref<512x2304xf32, #tpu.memory_space<vmem>>, vector<512x64xf32>
    %get3A_237 = arith.constant 0 : index
    %get3A_238 = arith.constant 1920 : index
    %get3A_239 = vector.load %arg18[%get3A_237, %get3A_238] : memref<512x2304xf32, #tpu.memory_space<vmem>>, vector<512x64xf32>
    %convert_element_type3A_240 = arith.truncf %get3A_233 : vector<512x64xf32> to vector<512x64xbf16>
    %convert_element_type3A_241 = arith.truncf %get3A_236 : vector<512x64xf32> to vector<512x64xbf16>
    %dot_general3A_242 = arith.constant dense<0.000000e+00> : vector<512x512xf32>
    %dot_general3A_243 = tpu.matmul %convert_element_type3A_240, %convert_element_type3A_241, %dot_general3A_242 {dimension_numbers = #tpu.dot_dimension_numbers<[1], [1], [0], [0], [0, 0, 1, 0], [], []>, transpose_lhs_hint = false} : vector<512x64xbf16>, vector<512x64xbf16>, vector<512x512xf32> -> vector<512x512xf32>
    %mul3A_244 = arith.constant 1.250000e-01 : f32
    %mul3A_245 = vector.broadcast %mul3A_244 : f32 to vector<512x512xf32>
    %mul3A_246 = arith.mulf %dot_general3A_243, %mul3A_245 : vector<512x512xf32>
    %reduce_max3A_247 = arith.constant dense<0xFF800000> : vector<512xf32>
    %reduce_max3A_248 = vector.multi_reduction <maximumf>, %mul3A_246, %reduce_max3A_247 [1] : vector<512x512xf32> to vector<512xf32>
    %broadcast_in_dim3A_249 = vector.shape_cast %reduce_max3A_248 : vector<512xf32> to vector<512x1xf32>
    %sub3A_250 = vector.broadcast %broadcast_in_dim3A_249 : vector<512x1xf32> to vector<512x512xf32>
    %sub3A_251 = arith.subf %mul3A_246, %sub3A_250 : vector<512x512xf32>
    %exp3A_252 = math.exp %sub3A_251 : vector<512x512xf32>
    %reduce_sum3A_253 = arith.constant dense<0.000000e+00> : vector<512xf32>
    %reduce_sum3A_254 = vector.multi_reduction <add>, %exp3A_252, %reduce_sum3A_253 [1] : vector<512x512xf32> to vector<512xf32>
    %broadcast_in_dim3A_255 = vector.shape_cast %reduce_sum3A_254 : vector<512xf32> to vector<512x1xf32>
    %div3A_256 = vector.broadcast %broadcast_in_dim3A_255 : vector<512x1xf32> to vector<512x512xf32>
    %div3A_257 = arith.divf %exp3A_252, %div3A_256 : vector<512x512xf32>
    %convert_element_type3A_258 = arith.truncf %div3A_257 : vector<512x512xf32> to vector<512x512xbf16>
    %convert_element_type3A_259 = arith.truncf %get3A_239 : vector<512x64xf32> to vector<512x64xbf16>
    %dot_general3A_260 = arith.constant dense<0.000000e+00> : vector<512x64xf32>
    %dot_general3A_261 = tpu.matmul %convert_element_type3A_258, %convert_element_type3A_259, %dot_general3A_260 {dimension_numbers = #tpu.dot_dimension_numbers<[1], [0], [0], [1], [0, 0, 1, 1], [], []>, transpose_lhs_hint = false} : vector<512x512xbf16>, vector<512x64xbf16>, vector<512x64xf32> -> vector<512x64xf32>
    %swap3A_262 = arith.constant 0 : index
    %swap3A_263 = arith.constant 384 : index
    %swap3A_264 = vector.load %arg19[%swap3A_262, %swap3A_263] : memref<512x768xf32, #tpu.memory_space<vmem>>, vector<512x64xf32>
    tpu.vector_store %arg19[%swap3A_262, %swap3A_263], %dot_general3A_261 {strides = array<i32>} : memref<512x768xf32, #tpu.memory_space<vmem>>, vector<512x64xf32>,
    %get3A_265 = arith.constant 0 : index
    %get3A_266 = arith.constant 448 : index
    %get3A_267 = vector.load %arg18[%get3A_265, %get3A_266] : memref<512x2304xf32, #tpu.memory_space<vmem>>, vector<512x64xf32>
    %get3A_268 = arith.constant 0 : index
    %get3A_269 = arith.constant 1216 : index
    %get3A_270 = vector.load %arg18[%get3A_268, %get3A_269] : memref<512x2304xf32, #tpu.memory_space<vmem>>, vector<512x64xf32>
    %get3A_271 = arith.constant 0 : index
    %get3A_272 = arith.constant 1984 : index
    %get3A_273 = vector.load %arg18[%get3A_271, %get3A_272] : memref<512x2304xf32, #tpu.memory_space<vmem>>, vector<512x64xf32>
    %convert_element_type3A_274 = arith.truncf %get3A_267 : vector<512x64xf32> to vector<512x64xbf16>
    %convert_element_type3A_275 = arith.truncf %get3A_270 : vector<512x64xf32> to vector<512x64xbf16>
    %dot_general3A_276 = arith.constant dense<0.000000e+00> : vector<512x512xf32>
    %dot_general3A_277 = tpu.matmul %convert_element_type3A_274, %convert_element_type3A_275, %dot_general3A_276 {dimension_numbers = #tpu.dot_dimension_numbers<[1], [1], [0], [0], [0, 0, 1, 0], [], []>, transpose_lhs_hint = false} : vector<512x64xbf16>, vector<512x64xbf16>, vector<512x512xf32> -> vector<512x512xf32>
    %mul3A_278 = arith.constant 1.250000e-01 : f32
    %mul3A_279 = vector.broadcast %mul3A_278 : f32 to vector<512x512xf32>
    %mul3A_280 = arith.mulf %dot_general3A_277, %mul3A_279 : vector<512x512xf32>
    %reduce_max3A_281 = arith.constant dense<0xFF800000> : vector<512xf32>
    %reduce_max3A_282 = vector.multi_reduction <maximumf>, %mul3A_280, %reduce_max3A_281 [1] : vector<512x512xf32> to vector<512xf32>
    %broadcast_in_dim3A_283 = vector.shape_cast %reduce_max3A_282 : vector<512xf32> to vector<512x1xf32>
    %sub3A_284 = vector.broadcast %broadcast_in_dim3A_283 : vector<512x1xf32> to vector<512x512xf32>
    %sub3A_285 = arith.subf %mul3A_280, %sub3A_284 : vector<512x512xf32>
    %exp3A_286 = math.exp %sub3A_285 : vector<512x512xf32>
    %reduce_sum3A_287 = arith.constant dense<0.000000e+00> : vector<512xf32>
    %reduce_sum3A_288 = vector.multi_reduction <add>, %exp3A_286, %reduce_sum3A_287 [1] : vector<512x512xf32> to vector<512xf32>
    %broadcast_in_dim3A_289 = vector.shape_cast %reduce_sum3A_288 : vector<512xf32> to vector<512x1xf32>
    %div3A_290 = vector.broadcast %broadcast_in_dim3A_289 : vector<512x1xf32> to vector<512x512xf32>
    %div3A_291 = arith.divf %exp3A_286, %div3A_290 : vector<512x512xf32>
    %convert_element_type3A_292 = arith.truncf %div3A_291 : vector<512x512xf32> to vector<512x512xbf16>
    %convert_element_type3A_293 = arith.truncf %get3A_273 : vector<512x64xf32> to vector<512x64xbf16>
    %dot_general3A_294 = arith.constant dense<0.000000e+00> : vector<512x64xf32>
    %dot_general3A_295 = tpu.matmul %convert_element_type3A_292, %convert_element_type3A_293, %dot_general3A_294 {dimension_numbers = #tpu.dot_dimension_numbers<[1], [0], [0], [1], [0, 0, 1, 1], [], []>, transpose_lhs_hint = false} : vector<512x512xbf16>, vector<512x64xbf16>, vector<512x64xf32> -> vector<512x64xf32>
    %swap3A_296 = arith.constant 0 : index
    %swap3A_297 = arith.constant 448 : index
    %swap3A_298 = vector.load %arg19[%swap3A_296, %swap3A_297] : memref<512x768xf32, #tpu.memory_space<vmem>>, vector<512x64xf32>
    tpu.vector_store %arg19[%swap3A_296, %swap3A_297], %dot_general3A_295 {strides = array<i32>} : memref<512x768xf32, #tpu.memory_space<vmem>>, vector<512x64xf32>,
    %get3A_299 = arith.constant 0 : index
    %get3A_300 = arith.constant 512 : index
    %get3A_301 = vector.load %arg18[%get3A_299, %get3A_300] : memref<512x2304xf32, #tpu.memory_space<vmem>>, vector<512x64xf32>
    %get3A_302 = arith.constant 0 : index
    %get3A_303 = arith.constant 1280 : index
    %get3A_304 = vector.load %arg18[%get3A_302, %get3A_303] : memref<512x2304xf32, #tpu.memory_space<vmem>>, vector<512x64xf32>
    %get3A_305 = arith.constant 0 : index
    %get3A_306 = arith.constant 2048 : index
    %get3A_307 = vector.load %arg18[%get3A_305, %get3A_306] : memref<512x2304xf32, #tpu.memory_space<vmem>>, vector<512x64xf32>
    %convert_element_type3A_308 = arith.truncf %get3A_301 : vector<512x64xf32> to vector<512x64xbf16>
    %convert_element_type3A_309 = arith.truncf %get3A_304 : vector<512x64xf32> to vector<512x64xbf16>
    %dot_general3A_310 = arith.constant dense<0.000000e+00> : vector<512x512xf32>
    %dot_general3A_311 = tpu.matmul %convert_element_type3A_308, %convert_element_type3A_309, %dot_general3A_310 {dimension_numbers = #tpu.dot_dimension_numbers<[1], [1], [0], [0], [0, 0, 1, 0], [], []>, transpose_lhs_hint = false} : vector<512x64xbf16>, vector<512x64xbf16>, vector<512x512xf32> -> vector<512x512xf32>
    %mul3A_312 = arith.constant 1.250000e-01 : f32
    %mul3A_313 = vector.broadcast %mul3A_312 : f32 to vector<512x512xf32>
    %mul3A_314 = arith.mulf %dot_general3A_311, %mul3A_313 : vector<512x512xf32>
    %reduce_max3A_315 = arith.constant dense<0xFF800000> : vector<512xf32>
    %reduce_max3A_316 = vector.multi_reduction <maximumf>, %mul3A_314, %reduce_max3A_315 [1] : vector<512x512xf32> to vector<512xf32>
    %broadcast_in_dim3A_317 = vector.shape_cast %reduce_max3A_316 : vector<512xf32> to vector<512x1xf32>
    %sub3A_318 = vector.broadcast %broadcast_in_dim3A_317 : vector<512x1xf32> to vector<512x512xf32>
    %sub3A_319 = arith.subf %mul3A_314, %sub3A_318 : vector<512x512xf32>
    %exp3A_320 = math.exp %sub3A_319 : vector<512x512xf32>
    %reduce_sum3A_321 = arith.constant dense<0.000000e+00> : vector<512xf32>
    %reduce_sum3A_322 = vector.multi_reduction <add>, %exp3A_320, %reduce_sum3A_321 [1] : vector<512x512xf32> to vector<512xf32>
    %broadcast_in_dim3A_323 = vector.shape_cast %reduce_sum3A_322 : vector<512xf32> to vector<512x1xf32>
    %div3A_324 = vector.broadcast %broadcast_in_dim3A_323 : vector<512x1xf32> to vector<512x512xf32>
    %div3A_325 = arith.divf %exp3A_320, %div3A_324 : vector<512x512xf32>
    %convert_element_type3A_326 = arith.truncf %div3A_325 : vector<512x512xf32> to vector<512x512xbf16>
    %convert_element_type3A_327 = arith.truncf %get3A_307 : vector<512x64xf32> to vector<512x64xbf16>
    %dot_general3A_328 = arith.constant dense<0.000000e+00> : vector<512x64xf32>
    %dot_general3A_329 = tpu.matmul %convert_element_type3A_326, %convert_element_type3A_327, %dot_general3A_328 {dimension_numbers = #tpu.dot_dimension_numbers<[1], [0], [0], [1], [0, 0, 1, 1], [], []>, transpose_lhs_hint = false} : vector<512x512xbf16>, vector<512x64xbf16>, vector<512x64xf32> -> vector<512x64xf32>
    %swap3A_330 = arith.constant 0 : index
    %swap3A_331 = arith.constant 512 : index
    %swap3A_332 = vector.load %arg19[%swap3A_330, %swap3A_331] : memref<512x768xf32, #tpu.memory_space<vmem>>, vector<512x64xf32>
    tpu.vector_store %arg19[%swap3A_330, %swap3A_331], %dot_general3A_329 {strides = array<i32>} : memref<512x768xf32, #tpu.memory_space<vmem>>, vector<512x64xf32>,
    %get3A_333 = arith.constant 0 : index
    %get3A_334 = arith.constant 576 : index
    %get3A_335 = vector.load %arg18[%get3A_333, %get3A_334] : memref<512x2304xf32, #tpu.memory_space<vmem>>, vector<512x64xf32>
    %get3A_336 = arith.constant 0 : index
    %get3A_337 = arith.constant 1344 : index
    %get3A_338 = vector.load %arg18[%get3A_336, %get3A_337] : memref<512x2304xf32, #tpu.memory_space<vmem>>, vector<512x64xf32>
    %get3A_339 = arith.constant 0 : index
    %get3A_340 = arith.constant 2112 : index
    %get3A_341 = vector.load %arg18[%get3A_339, %get3A_340] : memref<512x2304xf32, #tpu.memory_space<vmem>>, vector<512x64xf32>
    %convert_element_type3A_342 = arith.truncf %get3A_335 : vector<512x64xf32> to vector<512x64xbf16>
    %convert_element_type3A_343 = arith.truncf %get3A_338 : vector<512x64xf32> to vector<512x64xbf16>
    %dot_general3A_344 = arith.constant dense<0.000000e+00> : vector<512x512xf32>
    %dot_general3A_345 = tpu.matmul %convert_element_type3A_342, %convert_element_type3A_343, %dot_general3A_344 {dimension_numbers = #tpu.dot_dimension_numbers<[1], [1], [0], [0], [0, 0, 1, 0], [], []>, transpose_lhs_hint = false} : vector<512x64xbf16>, vector<512x64xbf16>, vector<512x512xf32> -> vector<512x512xf32>
    %mul3A_346 = arith.constant 1.250000e-01 : f32
    %mul3A_347 = vector.broadcast %mul3A_346 : f32 to vector<512x512xf32>
    %mul3A_348 = arith.mulf %dot_general3A_345, %mul3A_347 : vector<512x512xf32>
    %reduce_max3A_349 = arith.constant dense<0xFF800000> : vector<512xf32>
    %reduce_max3A_350 = vector.multi_reduction <maximumf>, %mul3A_348, %reduce_max3A_349 [1] : vector<512x512xf32> to vector<512xf32>
    %broadcast_in_dim3A_351 = vector.shape_cast %reduce_max3A_350 : vector<512xf32> to vector<512x1xf32>
    %sub3A_352 = vector.broadcast %broadcast_in_dim3A_351 : vector<512x1xf32> to vector<512x512xf32>
    %sub3A_353 = arith.subf %mul3A_348, %sub3A_352 : vector<512x512xf32>
    %exp3A_354 = math.exp %sub3A_353 : vector<512x512xf32>
    %reduce_sum3A_355 = arith.constant dense<0.000000e+00> : vector<512xf32>
    %reduce_sum3A_356 = vector.multi_reduction <add>, %exp3A_354, %reduce_sum3A_355 [1] : vector<512x512xf32> to vector<512xf32>
    %broadcast_in_dim3A_357 = vector.shape_cast %reduce_sum3A_356 : vector<512xf32> to vector<512x1xf32>
    %div3A_358 = vector.broadcast %broadcast_in_dim3A_357 : vector<512x1xf32> to vector<512x512xf32>
    %div3A_359 = arith.divf %exp3A_354, %div3A_358 : vector<512x512xf32>
    %convert_element_type3A_360 = arith.truncf %div3A_359 : vector<512x512xf32> to vector<512x512xbf16>
    %convert_element_type3A_361 = arith.truncf %get3A_341 : vector<512x64xf32> to vector<512x64xbf16>
    %dot_general3A_362 = arith.constant dense<0.000000e+00> : vector<512x64xf32>
    %dot_general3A_363 = tpu.matmul %convert_element_type3A_360, %convert_element_type3A_361, %dot_general3A_362 {dimension_numbers = #tpu.dot_dimension_numbers<[1], [0], [0], [1], [0, 0, 1, 1], [], []>, transpose_lhs_hint = false} : vector<512x512xbf16>, vector<512x64xbf16>, vector<512x64xf32> -> vector<512x64xf32>
    %swap3A_364 = arith.constant 0 : index
    %swap3A_365 = arith.constant 576 : index
    %swap3A_366 = vector.load %arg19[%swap3A_364, %swap3A_365] : memref<512x768xf32, #tpu.memory_space<vmem>>, vector<512x64xf32>
    tpu.vector_store %arg19[%swap3A_364, %swap3A_365], %dot_general3A_363 {strides = array<i32>} : memref<512x768xf32, #tpu.memory_space<vmem>>, vector<512x64xf32>,
    %get3A_367 = arith.constant 0 : index
    %get3A_368 = arith.constant 640 : index
    %get3A_369 = vector.load %arg18[%get3A_367, %get3A_368] : memref<512x2304xf32, #tpu.memory_space<vmem>>, vector<512x64xf32>
    %get3A_370 = arith.constant 0 : index
    %get3A_371 = arith.constant 1408 : index
    %get3A_372 = vector.load %arg18[%get3A_370, %get3A_371] : memref<512x2304xf32, #tpu.memory_space<vmem>>, vector<512x64xf32>
    %get3A_373 = arith.constant 0 : index
    %get3A_374 = arith.constant 2176 : index
    %get3A_375 = vector.load %arg18[%get3A_373, %get3A_374] : memref<512x2304xf32, #tpu.memory_space<vmem>>, vector<512x64xf32>
    %convert_element_type3A_376 = arith.truncf %get3A_369 : vector<512x64xf32> to vector<512x64xbf16>
    %convert_element_type3A_377 = arith.truncf %get3A_372 : vector<512x64xf32> to vector<512x64xbf16>
    %dot_general3A_378 = arith.constant dense<0.000000e+00> : vector<512x512xf32>
    %dot_general3A_379 = tpu.matmul %convert_element_type3A_376, %convert_element_type3A_377, %dot_general3A_378 {dimension_numbers = #tpu.dot_dimension_numbers<[1], [1], [0], [0], [0, 0, 1, 0], [], []>, transpose_lhs_hint = false} : vector<512x64xbf16>, vector<512x64xbf16>, vector<512x512xf32> -> vector<512x512xf32>
    %mul3A_380 = arith.constant 1.250000e-01 : f32
    %mul3A_381 = vector.broadcast %mul3A_380 : f32 to vector<512x512xf32>
    %mul3A_382 = arith.mulf %dot_general3A_379, %mul3A_381 : vector<512x512xf32>
    %reduce_max3A_383 = arith.constant dense<0xFF800000> : vector<512xf32>
    %reduce_max3A_384 = vector.multi_reduction <maximumf>, %mul3A_382, %reduce_max3A_383 [1] : vector<512x512xf32> to vector<512xf32>
    %broadcast_in_dim3A_385 = vector.shape_cast %reduce_max3A_384 : vector<512xf32> to vector<512x1xf32>
    %sub3A_386 = vector.broadcast %broadcast_in_dim3A_385 : vector<512x1xf32> to vector<512x512xf32>
    %sub3A_387 = arith.subf %mul3A_382, %sub3A_386 : vector<512x512xf32>
    %exp3A_388 = math.exp %sub3A_387 : vector<512x512xf32>
    %reduce_sum3A_389 = arith.constant dense<0.000000e+00> : vector<512xf32>
    %reduce_sum3A_390 = vector.multi_reduction <add>, %exp3A_388, %reduce_sum3A_389 [1] : vector<512x512xf32> to vector<512xf32>
    %broadcast_in_dim3A_391 = vector.shape_cast %reduce_sum3A_390 : vector<512xf32> to vector<512x1xf32>
    %div3A_392 = vector.broadcast %broadcast_in_dim3A_391 : vector<512x1xf32> to vector<512x512xf32>
    %div3A_393 = arith.divf %exp3A_388, %div3A_392 : vector<512x512xf32>
    %convert_element_type3A_394 = arith.truncf %div3A_393 : vector<512x512xf32> to vector<512x512xbf16>
    %convert_element_type3A_395 = arith.truncf %get3A_375 : vector<512x64xf32> to vector<512x64xbf16>
    %dot_general3A_396 = arith.constant dense<0.000000e+00> : vector<512x64xf32>
    %dot_general3A_397 = tpu.matmul %convert_element_type3A_394, %convert_element_type3A_395, %dot_general3A_396 {dimension_numbers = #tpu.dot_dimension_numbers<[1], [0], [0], [1], [0, 0, 1, 1], [], []>, transpose_lhs_hint = false} : vector<512x512xbf16>, vector<512x64xbf16>, vector<512x64xf32> -> vector<512x64xf32>
    %swap3A_398 = arith.constant 0 : index
    %swap3A_399 = arith.constant 640 : index
    %swap3A_400 = vector.load %arg19[%swap3A_398, %swap3A_399] : memref<512x768xf32, #tpu.memory_space<vmem>>, vector<512x64xf32>
    tpu.vector_store %arg19[%swap3A_398, %swap3A_399], %dot_general3A_397 {strides = array<i32>} : memref<512x768xf32, #tpu.memory_space<vmem>>, vector<512x64xf32>,
    %get3A_401 = arith.constant 0 : index
    %get3A_402 = arith.constant 704 : index
    %get3A_403 = vector.load %arg18[%get3A_401, %get3A_402] : memref<512x2304xf32, #tpu.memory_space<vmem>>, vector<512x64xf32>
    %get3A_404 = arith.constant 0 : index
    %get3A_405 = arith.constant 1472 : index
    %get3A_406 = vector.load %arg18[%get3A_404, %get3A_405] : memref<512x2304xf32, #tpu.memory_space<vmem>>, vector<512x64xf32>
    %get3A_407 = arith.constant 0 : index
    %get3A_408 = arith.constant 2240 : index
    %get3A_409 = vector.load %arg18[%get3A_407, %get3A_408] : memref<512x2304xf32, #tpu.memory_space<vmem>>, vector<512x64xf32>
    %convert_element_type3A_410 = arith.truncf %get3A_403 : vector<512x64xf32> to vector<512x64xbf16>
    %convert_element_type3A_411 = arith.truncf %get3A_406 : vector<512x64xf32> to vector<512x64xbf16>
    %dot_general3A_412 = arith.constant dense<0.000000e+00> : vector<512x512xf32>
    %dot_general3A_413 = tpu.matmul %convert_element_type3A_410, %convert_element_type3A_411, %dot_general3A_412 {dimension_numbers = #tpu.dot_dimension_numbers<[1], [1], [0], [0], [0, 0, 1, 0], [], []>, transpose_lhs_hint = false} : vector<512x64xbf16>, vector<512x64xbf16>, vector<512x512xf32> -> vector<512x512xf32>
    %mul3A_414 = arith.constant 1.250000e-01 : f32
    %mul3A_415 = vector.broadcast %mul3A_414 : f32 to vector<512x512xf32>
    %mul3A_416 = arith.mulf %dot_general3A_413, %mul3A_415 : vector<512x512xf32>
    %reduce_max3A_417 = arith.constant dense<0xFF800000> : vector<512xf32>
    %reduce_max3A_418 = vector.multi_reduction <maximumf>, %mul3A_416, %reduce_max3A_417 [1] : vector<512x512xf32> to vector<512xf32>
    %broadcast_in_dim3A_419 = vector.shape_cast %reduce_max3A_418 : vector<512xf32> to vector<512x1xf32>
    %sub3A_420 = vector.broadcast %broadcast_in_dim3A_419 : vector<512x1xf32> to vector<512x512xf32>
    %sub3A_421 = arith.subf %mul3A_416, %sub3A_420 : vector<512x512xf32>
    %exp3A_422 = math.exp %sub3A_421 : vector<512x512xf32>
    %reduce_sum3A_423 = arith.constant dense<0.000000e+00> : vector<512xf32>
    %reduce_sum3A_424 = vector.multi_reduction <add>, %exp3A_422, %reduce_sum3A_423 [1] : vector<512x512xf32> to vector<512xf32>
    %broadcast_in_dim3A_425 = vector.shape_cast %reduce_sum3A_424 : vector<512xf32> to vector<512x1xf32>
    %div3A_426 = vector.broadcast %broadcast_in_dim3A_425 : vector<512x1xf32> to vector<512x512xf32>
    %div3A_427 = arith.divf %exp3A_422, %div3A_426 : vector<512x512xf32>
    %convert_element_type3A_428 = arith.truncf %div3A_427 : vector<512x512xf32> to vector<512x512xbf16>
    %convert_element_type3A_429 = arith.truncf %get3A_409 : vector<512x64xf32> to vector<512x64xbf16>
    %dot_general3A_430 = arith.constant dense<0.000000e+00> : vector<512x64xf32>
    %dot_general3A_431 = tpu.matmul %convert_element_type3A_428, %convert_element_type3A_429, %dot_general3A_430 {dimension_numbers = #tpu.dot_dimension_numbers<[1], [0], [0], [1], [0, 0, 1, 1], [], []>, transpose_lhs_hint = false} : vector<512x512xbf16>, vector<512x64xbf16>, vector<512x64xf32> -> vector<512x64xf32>
    %swap3A_432 = arith.constant 0 : index
    %swap3A_433 = arith.constant 704 : index
    %swap3A_434 = vector.load %arg19[%swap3A_432, %swap3A_433] : memref<512x768xf32, #tpu.memory_space<vmem>>, vector<512x64xf32>
    tpu.vector_store %arg19[%swap3A_432, %swap3A_433], %dot_general3A_431 {strides = array<i32>} : memref<512x768xf32, #tpu.memory_space<vmem>>, vector<512x64xf32>,
    %get3A_435 = arith.constant 0 : index
    %get3A_436 = arith.constant 0 : index
    %get3A_437 = vector.load %arg19[%get3A_435, %get3A_436] : memref<512x768xf32, #tpu.memory_space<vmem>>, vector<512x768xf32>
    %get3A_438 = arith.constant 0 : index
    %get3A_439 = arith.constant 0 : index
    %get3A_440 = vector.load %arg7[%get3A_438, %get3A_439] : memref<768x768xbf16, #tpu.memory_space<vmem>>, vector<768x768xbf16>
    %convert_element_type3A_441 = arith.truncf %get3A_437 : vector<512x768xf32> to vector<512x768xbf16>
    %dot_general3A_442 = arith.constant dense<0.000000e+00> : vector<512x768xf32>
    %dot_general3A_443 = tpu.matmul %convert_element_type3A_441, %get3A_440, %dot_general3A_442 {dimension_numbers = #tpu.dot_dimension_numbers<[1], [1], [0], [0], [0, 0, 1, 0], [], []>, transpose_lhs_hint = false} : vector<512x768xbf16>, vector<768x768xbf16>, vector<512x768xf32> -> vector<512x768xf32>
    %get3A_444 = arith.constant 0 : index
    %get3A_445 = arith.constant 0 : index
    %get3A_446 = vector.load %arg8[%get3A_444, %get3A_445] : memref<1x768xf32, #tpu.memory_space<vmem>>, vector<1x768xf32>
    %add3A_447 = vector.broadcast %get3A_446 : vector<1x768xf32> to vector<512x768xf32>
    %add3A_448 = arith.addf %dot_general3A_443, %add3A_447 : vector<512x768xf32>
    %add3A_449 = arith.addf %add3A, %add3A_448 : vector<512x768xf32>
    %get3A_450 = arith.constant 0 : index
    %get3A_451 = arith.constant 0 : index
    %get3A_452 = vector.load %arg9[%get3A_450, %get3A_451] : memref<1x768xf32, #tpu.memory_space<vmem>>, vector<1x768xf32>
    %get3A_453 = arith.constant 0 : index
    %get3A_454 = arith.constant 0 : index
    %get3A_455 = vector.load %arg10[%get3A_453, %get3A_454] : memref<1x768xf32, #tpu.memory_space<vmem>>, vector<1x768xf32>
    %reduce_sum3A_456 = arith.constant dense<0.000000e+00> : vector<512xf32>
    %reduce_sum3A_457 = vector.multi_reduction <add>, %add3A_449, %reduce_sum3A_456 [1] : vector<512x768xf32> to vector<512xf32>
    %broadcast_in_dim3A_458 = vector.shape_cast %reduce_sum3A_457 : vector<512xf32> to vector<512x1xf32>
    %div3A_459 = arith.constant 7.680000e+02 : f32
    %div3A_460 = vector.broadcast %div3A_459 : f32 to vector<512x1xf32>
    %div3A_461 = arith.divf %broadcast_in_dim3A_458, %div3A_460 : vector<512x1xf32>
    %sub3A_462 = vector.broadcast %div3A_461 : vector<512x1xf32> to vector<512x768xf32>
    %sub3A_463 = arith.subf %add3A_449, %sub3A_462 : vector<512x768xf32>
    %mul3A_464 = arith.mulf %sub3A_463, %sub3A_463 : vector<512x768xf32>
    %reduce_sum3A_465 = arith.constant dense<0.000000e+00> : vector<512xf32>
    %reduce_sum3A_466 = vector.multi_reduction <add>, %mul3A_464, %reduce_sum3A_465 [1] : vector<512x768xf32> to vector<512xf32>
    %broadcast_in_dim3A_467 = vector.shape_cast %reduce_sum3A_466 : vector<512xf32> to vector<512x1xf32>
    %div3A_468 = arith.constant 7.680000e+02 : f32
    %div3A_469 = vector.broadcast %div3A_468 : f32 to vector<512x1xf32>
    %div3A_470 = arith.divf %broadcast_in_dim3A_467, %div3A_469 : vector<512x1xf32>
    %add3A_471 = arith.constant 9.99999974E-6 : f32
    %add3A_472 = vector.broadcast %add3A_471 : f32 to vector<512x1xf32>
    %add3A_473 = arith.addf %div3A_470, %add3A_472 : vector<512x1xf32>
    %sqrt3A = math.sqrt %add3A_473 : vector<512x1xf32>
    %div3A_474 = vector.broadcast %sqrt3A : vector<512x1xf32> to vector<512x768xf32>
    %div3A_475 = arith.divf %sub3A_463, %div3A_474 : vector<512x768xf32>
    %mul3A_476 = vector.broadcast %get3A_452 : vector<1x768xf32> to vector<512x768xf32>
    %mul3A_477 = arith.mulf %div3A_475, %mul3A_476 : vector<512x768xf32>
    %add3A_478 = vector.broadcast %get3A_455 : vector<1x768xf32> to vector<512x768xf32>
    %add3A_479 = arith.addf %mul3A_477, %add3A_478 : vector<512x768xf32>
    %get3A_480 = arith.constant 0 : index
    %get3A_481 = arith.constant 0 : index
    %get3A_482 = vector.load %arg14[%get3A_480, %get3A_481] : memref<1x768xf32, #tpu.memory_space<vmem>>, vector<1x768xf32>
    %broadcast_in_dim3A_483 = arith.constant 0.000000e+00 : f32
    %broadcast_in_dim3A_484 = vector.broadcast %broadcast_in_dim3A_483 : f32 to vector<512x768xf32>
    %add3A_485 = vector.broadcast %get3A_482 : vector<1x768xf32> to vector<512x768xf32>
    %add3A_486 = arith.addf %add3A_485, %broadcast_in_dim3A_484 : vector<512x768xf32>
    %get3A_487 = arith.constant 0 : index
    %get3A_488 = arith.constant 0 : index
    %get3A_489 = vector.load %arg11[%get3A_487, %get3A_488] : memref<3072x768xbf16, #tpu.memory_space<vmem>>, vector<768x768xbf16>
    %convert_element_type3A_490 = arith.truncf %add3A_479 : vector<512x768xf32> to vector<512x768xbf16>
    %dot_general3A_491 = arith.constant dense<0.000000e+00> : vector<512x768xf32>
    %dot_general3A_492 = tpu.matmul %convert_element_type3A_490, %get3A_489, %dot_general3A_491 {dimension_numbers = #tpu.dot_dimension_numbers<[1], [1], [0], [0], [0, 0, 1, 0], [], []>, transpose_lhs_hint = false} : vector<512x768xbf16>, vector<768x768xbf16>, vector<512x768xf32> -> vector<512x768xf32>
    %get3A_493 = arith.constant 0 : index
    %get3A_494 = arith.constant 0 : index
    %get3A_495 = vector.load %arg12[%get3A_493, %get3A_494] : memref<1x3072xf32, #tpu.memory_space<vmem>>, vector<1x768xf32>
    %add3A_496 = vector.broadcast %get3A_495 : vector<1x768xf32> to vector<512x768xf32>
    %add3A_497 = arith.addf %dot_general3A_492, %add3A_496 : vector<512x768xf32>
    %max3A = arith.constant 0.000000e+00 : f32
    %max3A_498 = vector.broadcast %max3A : f32 to vector<512x768xf32>
    %max3A_499 = arith.maximumf %add3A_497, %max3A_498 : vector<512x768xf32>
    %get3A_500 = arith.constant 0 : index
    %get3A_501 = arith.constant 0 : index
    %get3A_502 = vector.load %arg13[%get3A_500, %get3A_501] : memref<768x3072xbf16, #tpu.memory_space<vmem>>, vector<768x768xbf16>
    %convert_element_type3A_503 = arith.truncf %max3A_499 : vector<512x768xf32> to vector<512x768xbf16>
    %dot_general3A_504 = arith.constant dense<0.000000e+00> : vector<512x768xf32>
    %dot_general3A_505 = tpu.matmul %convert_element_type3A_503, %get3A_502, %dot_general3A_504 {dimension_numbers = #tpu.dot_dimension_numbers<[1], [1], [0], [0], [0, 0, 1, 0], [], []>, transpose_lhs_hint = false} : vector<512x768xbf16>, vector<768x768xbf16>, vector<512x768xf32> -> vector<512x768xf32>
    %add3A_506 = arith.addf %add3A_486, %dot_general3A_505 : vector<512x768xf32>
    %get3A_507 = arith.constant 768 : index
    %get3A_508 = arith.constant 0 : index
    %get3A_509 = vector.load %arg11[%get3A_507, %get3A_508] : memref<3072x768xbf16, #tpu.memory_space<vmem>>, vector<768x768xbf16>
    %convert_element_type3A_510 = arith.truncf %add3A_479 : vector<512x768xf32> to vector<512x768xbf16>
    %dot_general3A_511 = arith.constant dense<0.000000e+00> : vector<512x768xf32>
    %dot_general3A_512 = tpu.matmul %convert_element_type3A_510, %get3A_509, %dot_general3A_511 {dimension_numbers = #tpu.dot_dimension_numbers<[1], [1], [0], [0], [0, 0, 1, 0], [], []>, transpose_lhs_hint = false} : vector<512x768xbf16>, vector<768x768xbf16>, vector<512x768xf32> -> vector<512x768xf32>
    %get3A_513 = arith.constant 0 : index
    %get3A_514 = arith.constant 768 : index
    %get3A_515 = vector.load %arg12[%get3A_513, %get3A_514] : memref<1x3072xf32, #tpu.memory_space<vmem>>, vector<1x768xf32>
    %add3A_516 = vector.broadcast %get3A_515 : vector<1x768xf32> to vector<512x768xf32>
    %add3A_517 = arith.addf %dot_general3A_512, %add3A_516 : vector<512x768xf32>
    %max3A_518 = arith.constant 0.000000e+00 : f32
    %max3A_519 = vector.broadcast %max3A_518 : f32 to vector<512x768xf32>
    %max3A_520 = arith.maximumf %add3A_517, %max3A_519 : vector<512x768xf32>
    %get3A_521 = arith.constant 0 : index
    %get3A_522 = arith.constant 768 : index
    %get3A_523 = vector.load %arg13[%get3A_521, %get3A_522] : memref<768x3072xbf16, #tpu.memory_space<vmem>>, vector<768x768xbf16>
    %convert_element_type3A_524 = arith.truncf %max3A_520 : vector<512x768xf32> to vector<512x768xbf16>
    %dot_general3A_525 = arith.constant dense<0.000000e+00> : vector<512x768xf32>
    %dot_general3A_526 = tpu.matmul %convert_element_type3A_524, %get3A_523, %dot_general3A_525 {dimension_numbers = #tpu.dot_dimension_numbers<[1], [1], [0], [0], [0, 0, 1, 0], [], []>, transpose_lhs_hint = false} : vector<512x768xbf16>, vector<768x768xbf16>, vector<512x768xf32> -> vector<512x768xf32>
    %add3A_527 = arith.addf %add3A_506, %dot_general3A_526 : vector<512x768xf32>
    %get3A_528 = arith.constant 1536 : index
    %get3A_529 = arith.constant 0 : index
    %get3A_530 = vector.load %arg11[%get3A_528, %get3A_529] : memref<3072x768xbf16, #tpu.memory_space<vmem>>, vector<768x768xbf16>
    %convert_element_type3A_531 = arith.truncf %add3A_479 : vector<512x768xf32> to vector<512x768xbf16>
    %dot_general3A_532 = arith.constant dense<0.000000e+00> : vector<512x768xf32>
    %dot_general3A_533 = tpu.matmul %convert_element_type3A_531, %get3A_530, %dot_general3A_532 {dimension_numbers = #tpu.dot_dimension_numbers<[1], [1], [0], [0], [0, 0, 1, 0], [], []>, transpose_lhs_hint = false} : vector<512x768xbf16>, vector<768x768xbf16>, vector<512x768xf32> -> vector<512x768xf32>
    %get3A_534 = arith.constant 0 : index
    %get3A_535 = arith.constant 1536 : index
    %get3A_536 = vector.load %arg12[%get3A_534, %get3A_535] : memref<1x3072xf32, #tpu.memory_space<vmem>>, vector<1x768xf32>
    %add3A_537 = vector.broadcast %get3A_536 : vector<1x768xf32> to vector<512x768xf32>
    %add3A_538 = arith.addf %dot_general3A_533, %add3A_537 : vector<512x768xf32>
    %max3A_539 = arith.constant 0.000000e+00 : f32
    %max3A_540 = vector.broadcast %max3A_539 : f32 to vector<512x768xf32>
    %max3A_541 = arith.maximumf %add3A_538, %max3A_540 : vector<512x768xf32>
    %get3A_542 = arith.constant 0 : index
    %get3A_543 = arith.constant 1536 : index
    %get3A_544 = vector.load %arg13[%get3A_542, %get3A_543] : memref<768x3072xbf16, #tpu.memory_space<vmem>>, vector<768x768xbf16>
    %convert_element_type3A_545 = arith.truncf %max3A_541 : vector<512x768xf32> to vector<512x768xbf16>
    %dot_general3A_546 = arith.constant dense<0.000000e+00> : vector<512x768xf32>
    %dot_general3A_547 = tpu.matmul %convert_element_type3A_545, %get3A_544, %dot_general3A_546 {dimension_numbers = #tpu.dot_dimension_numbers<[1], [1], [0], [0], [0, 0, 1, 0], [], []>, transpose_lhs_hint = false} : vector<512x768xbf16>, vector<768x768xbf16>, vector<512x768xf32> -> vector<512x768xf32>
    %add3A_548 = arith.addf %add3A_527, %dot_general3A_547 : vector<512x768xf32>
    %get3A_549 = arith.constant 2304 : index
    %get3A_550 = arith.constant 0 : index
    %get3A_551 = vector.load %arg11[%get3A_549, %get3A_550] : memref<3072x768xbf16, #tpu.memory_space<vmem>>, vector<768x768xbf16>
    %convert_element_type3A_552 = arith.truncf %add3A_479 : vector<512x768xf32> to vector<512x768xbf16>
    %dot_general3A_553 = arith.constant dense<0.000000e+00> : vector<512x768xf32>
    %dot_general3A_554 = tpu.matmul %convert_element_type3A_552, %get3A_551, %dot_general3A_553 {dimension_numbers = #tpu.dot_dimension_numbers<[1], [1], [0], [0], [0, 0, 1, 0], [], []>, transpose_lhs_hint = false} : vector<512x768xbf16>, vector<768x768xbf16>, vector<512x768xf32> -> vector<512x768xf32>
    %get3A_555 = arith.constant 0 : index
    %get3A_556 = arith.constant 2304 : index
    %get3A_557 = vector.load %arg12[%get3A_555, %get3A_556] : memref<1x3072xf32, #tpu.memory_space<vmem>>, vector<1x768xf32>
    %add3A_558 = vector.broadcast %get3A_557 : vector<1x768xf32> to vector<512x768xf32>
    %add3A_559 = arith.addf %dot_general3A_554, %add3A_558 : vector<512x768xf32>
    %max3A_560 = arith.constant 0.000000e+00 : f32
    %max3A_561 = vector.broadcast %max3A_560 : f32 to vector<512x768xf32>
    %max3A_562 = arith.maximumf %add3A_559, %max3A_561 : vector<512x768xf32>
    %get3A_563 = arith.constant 0 : index
    %get3A_564 = arith.constant 2304 : index
    %get3A_565 = vector.load %arg13[%get3A_563, %get3A_564] : memref<768x3072xbf16, #tpu.memory_space<vmem>>, vector<768x768xbf16>
    %convert_element_type3A_566 = arith.truncf %max3A_562 : vector<512x768xf32> to vector<512x768xbf16>
    %dot_general3A_567 = arith.constant dense<0.000000e+00> : vector<512x768xf32>
    %dot_general3A_568 = tpu.matmul %convert_element_type3A_566, %get3A_565, %dot_general3A_567 {dimension_numbers = #tpu.dot_dimension_numbers<[1], [1], [0], [0], [0, 0, 1, 0], [], []>, transpose_lhs_hint = false} : vector<512x768xbf16>, vector<768x768xbf16>, vector<512x768xf32> -> vector<512x768xf32>
    %add3A_569 = arith.addf %add3A_548, %dot_general3A_568 : vector<512x768xf32>
    %add3A_570 = arith.addf %add3A_479, %add3A_569 : vector<512x768xf32>
    %get3A_571 = arith.constant 0 : index
    %get3A_572 = arith.constant 0 : index
    %get3A_573 = vector.load %arg15[%get3A_571, %get3A_572] : memref<1x768xf32, #tpu.memory_space<vmem>>, vector<1x768xf32>
    %get3A_574 = arith.constant 0 : index
    %get3A_575 = arith.constant 0 : index
    %get3A_576 = vector.load %arg16[%get3A_574, %get3A_575] : memref<1x768xf32, #tpu.memory_space<vmem>>, vector<1x768xf32>
    %reduce_sum3A_577 = arith.constant dense<0.000000e+00> : vector<512xf32>
    %reduce_sum3A_578 = vector.multi_reduction <add>, %add3A_570, %reduce_sum3A_577 [1] : vector<512x768xf32> to vector<512xf32>
    %broadcast_in_dim3A_579 = vector.shape_cast %reduce_sum3A_578 : vector<512xf32> to vector<512x1xf32>
    %div3A_580 = arith.constant 7.680000e+02 : f32
    %div3A_581 = vector.broadcast %div3A_580 : f32 to vector<512x1xf32>
    %div3A_582 = arith.divf %broadcast_in_dim3A_579, %div3A_581 : vector<512x1xf32>
    %sub3A_583 = vector.broadcast %div3A_582 : vector<512x1xf32> to vector<512x768xf32>
    %sub3A_584 = arith.subf %add3A_570, %sub3A_583 : vector<512x768xf32>
    %mul3A_585 = arith.mulf %sub3A_584, %sub3A_584 : vector<512x768xf32>
    %reduce_sum3A_586 = arith.constant dense<0.000000e+00> : vector<512xf32>
    %reduce_sum3A_587 = vector.multi_reduction <add>, %mul3A_585, %reduce_sum3A_586 [1] : vector<512x768xf32> to vector<512xf32>
    %broadcast_in_dim3A_588 = vector.shape_cast %reduce_sum3A_587 : vector<512xf32> to vector<512x1xf32>
    %div3A_589 = arith.constant 7.680000e+02 : f32
    %div3A_590 = vector.broadcast %div3A_589 : f32 to vector<512x1xf32>
    %div3A_591 = arith.divf %broadcast_in_dim3A_588, %div3A_590 : vector<512x1xf32>
    %add3A_592 = arith.constant 9.99999974E-6 : f32
    %add3A_593 = vector.broadcast %add3A_592 : f32 to vector<512x1xf32>
    %add3A_594 = arith.addf %div3A_591, %add3A_593 : vector<512x1xf32>
    %sqrt3A_595 = math.sqrt %add3A_594 : vector<512x1xf32>
    %div3A_596 = vector.broadcast %sqrt3A_595 : vector<512x1xf32> to vector<512x768xf32>
    %div3A_597 = arith.divf %sub3A_584, %div3A_596 : vector<512x768xf32>
    %mul3A_598 = vector.broadcast %get3A_573 : vector<1x768xf32> to vector<512x768xf32>
    %mul3A_599 = arith.mulf %div3A_597, %mul3A_598 : vector<512x768xf32>
    %add3A_600 = vector.broadcast %get3A_576 : vector<1x768xf32> to vector<512x768xf32>
    %add3A_601 = arith.addf %mul3A_599, %add3A_600 : vector<512x768xf32>
    %swap3A_602 = arith.constant 0 : index
    %swap3A_603 = arith.constant 0 : index
    %swap3A_604 = arith.constant 0 : index
    %swap3A_605 = arith.constant 0 : index
    %swap3A_606 = vector.load %arg17[%swap3A_602, %swap3A_603, %swap3A_604, %swap3A_605] : memref<1x1x512x768xf32, #tpu.memory_space<vmem>>, vector<1x1x512x768xf32>
    %swap3A_607 = vector.shape_cast %swap3A_606 : vector<1x1x512x768xf32> to vector<512x768xf32>
    %swap3A_608 = vector.shape_cast %add3A_601 : vector<512x768xf32> to vector<1x1x512x768xf32>
    tpu.vector_store %arg17[%swap3A_602, %swap3A_603, %swap3A_604, %swap3A_605], %swap3A_608 {strides = array<i32>} : memref<1x1x512x768xf32, #tpu.memory_space<vmem>>, vector<1x1x512x768xf32>,
    return
  }
  func.func @transform_0(%arg0: i32, %arg1: i32) -> (i32, i32) {
    %c0_i32 = arith.constant 0 : i32
    %c0_i32_0 = arith.constant 0 : i32
    %c0_i32_1 = arith.constant 0 : i32
    return %c0_i32, %c0_i32_0 : i32, i32
  }
  func.func @transform_1(%arg0: i32, %arg1: i32) -> (i32, i32, i32, i32) {
    %c0_i32 = arith.constant 0 : i32
    %c0_i32_0 = arith.constant 0 : i32
    %c0_i32_1 = arith.constant 0 : i32
    %c0_i32_2 = arith.constant 0 : i32
    return %c0_i32, %arg1, %c0_i32_0, %c0_i32_1 : i32, i32, i32, i32
  }
  func.func @transform_2(%arg0: i32, %arg1: i32) -> (i32, i32, i32, i32) {
    %c1_i32 = arith.constant 1 : i32
    %c0_i32 = arith.constant 0 : i32
    %c0_i32_0 = arith.constant 0 : i32
    %c0_i32_1 = arith.constant 0 : i32
    return %c1_i32, %arg1, %c0_i32, %c0_i32_0 : i32, i32, i32, i32
  }
  func.func @transform_3(%arg0: i32, %arg1: i32) -> (i32, i32) {
    %c0_i32 = arith.constant 0 : i32
    %c0_i32_0 = arith.constant 0 : i32
    %c0_i32_1 = arith.constant 0 : i32
    return %c0_i32, %c0_i32_0 : i32, i32
  }
  func.func @transform_4(%arg0: i32, %arg1: i32) -> (i32, i32) {
    %c0_i32 = arith.constant 0 : i32
    %c0_i32_0 = arith.constant 0 : i32
    %c0_i32_1 = arith.constant 0 : i32
    return %c0_i32, %c0_i32_0 : i32, i32
  }
  func.func @transform_5(%arg0: i32, %arg1: i32) -> (i32, i32) {
    %c0_i32 = arith.constant 0 : i32
    %c0_i32_0 = arith.constant 0 : i32
    %c0_i32_1 = arith.constant 0 : i32
    return %c0_i32, %c0_i32_0 : i32, i32
  }
  func.func @transform_6(%arg0: i32, %arg1: i32) -> (i32, i32) {
    %c0_i32 = arith.constant 0 : i32
    %c0_i32_0 = arith.constant 0 : i32
    %c0_i32_1 = arith.constant 0 : i32
    return %c0_i32, %c0_i32_0 : i32, i32
  }
  func.func @transform_7(%arg0: i32, %arg1: i32) -> (i32, i32) {
    %c0_i32 = arith.constant 0 : i32
    %c0_i32_0 = arith.constant 0 : i32
    %c0_i32_1 = arith.constant 0 : i32
    return %c0_i32, %c0_i32_0 : i32, i32
  }
  func.func @transform_8(%arg0: i32, %arg1: i32) -> (i32, i32) {
    %c0_i32 = arith.constant 0 : i32
    %c0_i32_0 = arith.constant 0 : i32
    %c0_i32_1 = arith.constant 0 : i32
    return %c0_i32, %c0_i32_0 : i32, i32
  }
  func.func @transform_9(%arg0: i32, %arg1: i32) -> (i32, i32) {
    %c0_i32 = arith.constant 0 : i32
    %c0_i32_0 = arith.constant 0 : i32
    %c0_i32_1 = arith.constant 0 : i32
    return %c0_i32, %c0_i32_0 : i32, i32
  }
  func.func @transform_10(%arg0: i32, %arg1: i32) -> (i32, i32) {
    %c0_i32 = arith.constant 0 : i32
    %c0_i32_0 = arith.constant 0 : i32
    %c0_i32_1 = arith.constant 0 : i32
    return %c0_i32, %c0_i32_0 : i32, i32
  }
  func.func @transform_11(%arg0: i32, %arg1: i32) -> (i32, i32) {
    %c0_i32 = arith.constant 0 : i32
    %c0_i32_0 = arith.constant 0 : i32
    %c0_i32_1 = arith.constant 0 : i32
    return %c0_i32, %c0_i32_0 : i32, i32
  }
  func.func @transform_12(%arg0: i32, %arg1: i32) -> (i32, i32) {
    %c0_i32 = arith.constant 0 : i32
    %c0_i32_0 = arith.constant 0 : i32
    %c0_i32_1 = arith.constant 0 : i32
    return %c0_i32, %c0_i32_0 : i32, i32
  }
  func.func @transform_13(%arg0: i32, %arg1: i32) -> (i32, i32) {
    %c0_i32 = arith.constant 0 : i32
    %c0_i32_0 = arith.constant 0 : i32
    %c0_i32_1 = arith.constant 0 : i32
    return %c0_i32, %c0_i32_0 : i32, i32
  }
  func.func @transform_14(%arg0: i32, %arg1: i32) -> (i32, i32) {
    %c0_i32 = arith.constant 0 : i32
    %c0_i32_0 = arith.constant 0 : i32
    %c0_i32_1 = arith.constant 0 : i32
    return %c0_i32, %c0_i32_0 : i32, i32
  }
  func.func @transform_15(%arg0: i32, %arg1: i32) -> (i32, i32, i32, i32) {
    %c0_i32 = arith.constant 0 : i32
    %c0_i32_0 = arith.constant 0 : i32
    %c0_i32_1 = arith.constant 0 : i32
    return %arg0, %arg1, %c0_i32, %c0_i32_0 : i32, i32, i32, i32
  }
}

module attributes {stable_mosaic.version = 14 : i64} {
  func.func @_nll_body(%arg0: i32, %arg1: memref<2xi32, #tpu.memory_space<smem>>, %arg2: memref<3072x768xf32, #tpu.memory_space<vmem>>, %arg3: memref<1024x768xbf16, #tpu.memory_space<vmem>>, %arg4: memref<1024x768xbf16, #tpu.memory_space<vmem>>, %arg5: memref<1x1xf32, #tpu.memory_space<vmem>>, %arg6: memref<1x1024xf32, #tpu.memory_space<vmem>>, %arg7: memref<3072x1xf32, #tpu.memory_space<vmem>>) attributes {dimension_semantics = [#tpu.dimension_semantics<arbitrary>], iteration_bounds = array<i64: 16>, scalar_prefetch = 0 : i64, scratch_operands = 1 : i64, tpu.core_type = #tpu.core_type<tc>, window_params = [{transform_indices = @transform_0, window_bounds = array<i64: 2>}, {pipeline_mode = #tpu.pipeline_mode<synchronous>, transform_indices = @transform_1, window_bounds = array<i64: 3072, 768>}, {transform_indices = @transform_2, window_bounds = array<i64: 1024, 768>}, {pipeline_mode = #tpu.pipeline_mode<synchronous>, transform_indices = @transform_3, window_bounds = array<i64: 1024, 768>}, {pipeline_mode = #tpu.pipeline_mode<synchronous>, transform_indices = @transform_4, window_bounds = array<i64: 1, 1>}, {pipeline_mode = #tpu.pipeline_mode<synchronous>, transform_indices = @transform_5, window_bounds = array<i64: 1, 1024>}]} {
    %get3A = arith.constant 0 : index
    %get3A_0 = arith.constant 0 : index
    %get3A_1 = vector.load %arg2[%get3A, %get3A_0] : memref<3072x768xf32, #tpu.memory_space<vmem>>, vector<1024x768xf32>
    %get3A_2 = arith.constant 0 : index
    %get3A_3 = arith.constant 0 : index
    %get3A_4 = vector.load %arg3[%get3A_2, %get3A_3] : memref<1024x768xbf16, #tpu.memory_space<vmem>>, vector<1024x768xbf16>
    %convert_element_type3A = arith.truncf %get3A_1 : vector<1024x768xf32> to vector<1024x768xbf16>
    %dot_general3A = arith.constant dense<0.000000e+00> : vector<1024x1024xf32>
    %dot_general3A_5 = tpu.matmul %convert_element_type3A, %get3A_4, %dot_general3A {dimension_numbers = #tpu.dot_dimension_numbers<[1], [1], [0], [0], [0, 0, 1, 0], [], []>, transpose_lhs_hint = false} : vector<1024x768xbf16>, vector<1024x768xbf16>, vector<1024x1024xf32> -> vector<1024x1024xf32>
    %exp3A = math.exp %dot_general3A_5 : vector<1024x1024xf32>
    %reduce_sum3A = arith.constant dense<0.000000e+00> : vector<1024xf32>
    %reduce_sum3A_6 = vector.multi_reduction <add>, %exp3A, %reduce_sum3A [1] : vector<1024x1024xf32> to vector<1024xf32>
    %broadcast_in_dim3A = vector.shape_cast %reduce_sum3A_6 : vector<1024xf32> to vector<1024x1xf32>
    %eq3A = arith.constant 0 : i32
    %eq3A_7 = arith.cmpi eq, %arg0, %eq3A : i32
    %convert_element_type3A_8 = arith.extui %eq3A_7 : i1 to i32
    %cond3A = arith.constant 0 : i32
    %cond3A_9 = arith.cmpi ne, %convert_element_type3A_8, %cond3A : i32
    scf.if %cond3A_9 {
      %swap3A = arith.constant 0 : index
      %swap3A_65 = arith.constant 0 : index
      %swap3A_66 = vector.load %arg7[%swap3A, %swap3A_65] : memref<3072x1xf32, #tpu.memory_space<vmem>>, vector<1024x1xf32>
      tpu.vector_store %arg7[%swap3A, %swap3A_65], %broadcast_in_dim3A {strides = array<i32>} : memref<3072x1xf32, #tpu.memory_space<vmem>>, vector<1024x1xf32>,
    } else {
    }
    %gt3A = arith.constant 0 : i32
    %gt3A_10 = arith.cmpi sgt, %arg0, %gt3A : i32
    %convert_element_type3A_11 = arith.extui %gt3A_10 : i1 to i32
    %cond3A_12 = arith.constant 0 : i32
    %cond3A_13 = arith.cmpi ne, %convert_element_type3A_11, %cond3A_12 : i32
    scf.if %cond3A_13 {
      %get3A_65 = arith.constant 0 : index
      %get3A_66 = arith.constant 0 : index
      %get3A_67 = vector.load %arg7[%get3A_65, %get3A_66] : memref<3072x1xf32, #tpu.memory_space<vmem>>, vector<1024x1xf32>
      %add3A = arith.addf %get3A_67, %broadcast_in_dim3A : vector<1024x1xf32>
      %swap3A = arith.constant 0 : index
      %swap3A_68 = arith.constant 0 : index
      %swap3A_69 = vector.load %arg7[%swap3A, %swap3A_68] : memref<3072x1xf32, #tpu.memory_space<vmem>>, vector<1024x1xf32>
      tpu.vector_store %arg7[%swap3A, %swap3A_68], %add3A {strides = array<i32>} : memref<3072x1xf32, #tpu.memory_space<vmem>>, vector<1024x1xf32>,
    } else {
    }
    %get3A_14 = arith.constant 1024 : index
    %get3A_15 = arith.constant 0 : index
    %get3A_16 = vector.load %arg2[%get3A_14, %get3A_15] : memref<3072x768xf32, #tpu.memory_space<vmem>>, vector<1024x768xf32>
    %get3A_17 = arith.constant 0 : index
    %get3A_18 = arith.constant 0 : index
    %get3A_19 = vector.load %arg3[%get3A_17, %get3A_18] : memref<1024x768xbf16, #tpu.memory_space<vmem>>, vector<1024x768xbf16>
    %convert_element_type3A_20 = arith.truncf %get3A_16 : vector<1024x768xf32> to vector<1024x768xbf16>
    %dot_general3A_21 = arith.constant dense<0.000000e+00> : vector<1024x1024xf32>
    %dot_general3A_22 = tpu.matmul %convert_element_type3A_20, %get3A_19, %dot_general3A_21 {dimension_numbers = #tpu.dot_dimension_numbers<[1], [1], [0], [0], [0, 0, 1, 0], [], []>, transpose_lhs_hint = false} : vector<1024x768xbf16>, vector<1024x768xbf16>, vector<1024x1024xf32> -> vector<1024x1024xf32>
    %exp3A_23 = math.exp %dot_general3A_22 : vector<1024x1024xf32>
    %reduce_sum3A_24 = arith.constant dense<0.000000e+00> : vector<1024xf32>
    %reduce_sum3A_25 = vector.multi_reduction <add>, %exp3A_23, %reduce_sum3A_24 [1] : vector<1024x1024xf32> to vector<1024xf32>
    %broadcast_in_dim3A_26 = vector.shape_cast %reduce_sum3A_25 : vector<1024xf32> to vector<1024x1xf32>
    %eq3A_27 = arith.constant 0 : i32
    %eq3A_28 = arith.cmpi eq, %arg0, %eq3A_27 : i32
    %convert_element_type3A_29 = arith.extui %eq3A_28 : i1 to i32
    %cond3A_30 = arith.constant 0 : i32
    %cond3A_31 = arith.cmpi ne, %convert_element_type3A_29, %cond3A_30 : i32
    scf.if %cond3A_31 {
      %swap3A = arith.constant 1024 : index
      %swap3A_65 = arith.constant 0 : index
      %swap3A_66 = vector.load %arg7[%swap3A, %swap3A_65] : memref<3072x1xf32, #tpu.memory_space<vmem>>, vector<1024x1xf32>
      tpu.vector_store %arg7[%swap3A, %swap3A_65], %broadcast_in_dim3A_26 {strides = array<i32>} : memref<3072x1xf32, #tpu.memory_space<vmem>>, vector<1024x1xf32>,
    } else {
    }
    %gt3A_32 = arith.constant 0 : i32
    %gt3A_33 = arith.cmpi sgt, %arg0, %gt3A_32 : i32
    %convert_element_type3A_34 = arith.extui %gt3A_33 : i1 to i32
    %cond3A_35 = arith.constant 0 : i32
    %cond3A_36 = arith.cmpi ne, %convert_element_type3A_34, %cond3A_35 : i32
    scf.if %cond3A_36 {
      %get3A_65 = arith.constant 1024 : index
      %get3A_66 = arith.constant 0 : index
      %get3A_67 = vector.load %arg7[%get3A_65, %get3A_66] : memref<3072x1xf32, #tpu.memory_space<vmem>>, vector<1024x1xf32>
      %add3A = arith.addf %get3A_67, %broadcast_in_dim3A_26 : vector<1024x1xf32>
      %swap3A = arith.constant 1024 : index
      %swap3A_68 = arith.constant 0 : index
      %swap3A_69 = vector.load %arg7[%swap3A, %swap3A_68] : memref<3072x1xf32, #tpu.memory_space<vmem>>, vector<1024x1xf32>
      tpu.vector_store %arg7[%swap3A, %swap3A_68], %add3A {strides = array<i32>} : memref<3072x1xf32, #tpu.memory_space<vmem>>, vector<1024x1xf32>,
    } else {
    }
    %get3A_37 = arith.constant 2048 : index
    %get3A_38 = arith.constant 0 : index
    %get3A_39 = vector.load %arg2[%get3A_37, %get3A_38] : memref<3072x768xf32, #tpu.memory_space<vmem>>, vector<1024x768xf32>
    %get3A_40 = arith.constant 0 : index
    %get3A_41 = arith.constant 0 : index
    %get3A_42 = vector.load %arg3[%get3A_40, %get3A_41] : memref<1024x768xbf16, #tpu.memory_space<vmem>>, vector<1024x768xbf16>
    %convert_element_type3A_43 = arith.truncf %get3A_39 : vector<1024x768xf32> to vector<1024x768xbf16>
    %dot_general3A_44 = arith.constant dense<0.000000e+00> : vector<1024x1024xf32>
    %dot_general3A_45 = tpu.matmul %convert_element_type3A_43, %get3A_42, %dot_general3A_44 {dimension_numbers = #tpu.dot_dimension_numbers<[1], [1], [0], [0], [0, 0, 1, 0], [], []>, transpose_lhs_hint = false} : vector<1024x768xbf16>, vector<1024x768xbf16>, vector<1024x1024xf32> -> vector<1024x1024xf32>
    %exp3A_46 = math.exp %dot_general3A_45 : vector<1024x1024xf32>
    %reduce_sum3A_47 = arith.constant dense<0.000000e+00> : vector<1024xf32>
    %reduce_sum3A_48 = vector.multi_reduction <add>, %exp3A_46, %reduce_sum3A_47 [1] : vector<1024x1024xf32> to vector<1024xf32>
    %broadcast_in_dim3A_49 = vector.shape_cast %reduce_sum3A_48 : vector<1024xf32> to vector<1024x1xf32>
    %eq3A_50 = arith.constant 0 : i32
    %eq3A_51 = arith.cmpi eq, %arg0, %eq3A_50 : i32
    %convert_element_type3A_52 = arith.extui %eq3A_51 : i1 to i32
    %cond3A_53 = arith.constant 0 : i32
    %cond3A_54 = arith.cmpi ne, %convert_element_type3A_52, %cond3A_53 : i32
    scf.if %cond3A_54 {
      %swap3A = arith.constant 2048 : index
      %swap3A_65 = arith.constant 0 : index
      %swap3A_66 = vector.load %arg7[%swap3A, %swap3A_65] : memref<3072x1xf32, #tpu.memory_space<vmem>>, vector<1024x1xf32>
      tpu.vector_store %arg7[%swap3A, %swap3A_65], %broadcast_in_dim3A_49 {strides = array<i32>} : memref<3072x1xf32, #tpu.memory_space<vmem>>, vector<1024x1xf32>,
    } else {
    }
    %gt3A_55 = arith.constant 0 : i32
    %gt3A_56 = arith.cmpi sgt, %arg0, %gt3A_55 : i32
    %convert_element_type3A_57 = arith.extui %gt3A_56 : i1 to i32
    %cond3A_58 = arith.constant 0 : i32
    %cond3A_59 = arith.cmpi ne, %convert_element_type3A_57, %cond3A_58 : i32
    scf.if %cond3A_59 {
      %get3A_65 = arith.constant 2048 : index
      %get3A_66 = arith.constant 0 : index
      %get3A_67 = vector.load %arg7[%get3A_65, %get3A_66] : memref<3072x1xf32, #tpu.memory_space<vmem>>, vector<1024x1xf32>
      %add3A = arith.addf %get3A_67, %broadcast_in_dim3A_49 : vector<1024x1xf32>
      %swap3A = arith.constant 2048 : index
      %swap3A_68 = arith.constant 0 : index
      %swap3A_69 = vector.load %arg7[%swap3A, %swap3A_68] : memref<3072x1xf32, #tpu.memory_space<vmem>>, vector<1024x1xf32>
      tpu.vector_store %arg7[%swap3A, %swap3A_68], %add3A {strides = array<i32>} : memref<3072x1xf32, #tpu.memory_space<vmem>>, vector<1024x1xf32>,
    } else {
    }
    %eq3A_60 = arith.constant 15 : i32
    %eq3A_61 = arith.cmpi eq, %arg0, %eq3A_60 : i32
    %convert_element_type3A_62 = arith.extui %eq3A_61 : i1 to i32
    %cond3A_63 = arith.constant 0 : i32
    %cond3A_64 = arith.cmpi ne, %convert_element_type3A_62, %cond3A_63 : i32
    scf.if %cond3A_64 {
      %get3A_65 = arith.constant 0 : index
      %get3A_66 = arith.constant 0 : index
      %get3A_67 = vector.load %arg4[%get3A_65, %get3A_66] : memref<1024x768xbf16, #tpu.memory_space<vmem>>, vector<1024x768xbf16>
      %convert_element_type3A_68 = arith.extf %get3A_67 : vector<1024x768xbf16> to vector<1024x768xf32>
      %iota3A = tpu.iota {dimensions = array<i32: 0>} : vector<1024x1xi32>
      %jit3A = arith.constant 512 : i32
      %eq3A_69 = arith.constant 0 : i32
      %eq3A_70 = arith.cmpi eq, %jit3A, %eq3A_69 : i32
      %jit3A_71 = arith.constant 1 : i32
      %select_n3A = arith.select %eq3A_70, %jit3A_71, %jit3A : i32
      %rem3A = vector.broadcast %select_n3A : i32 to vector<1024x1xi32>
      %rem3A_72 = arith.remsi %iota3A, %rem3A : vector<1024x1xi32>
      %ne3A = arith.constant 0 : i32
      %ne3A_73 = vector.broadcast %ne3A : i32 to vector<1024x1xi32>
      %ne3A_74 = arith.cmpi ne, %rem3A_72, %ne3A_73 : vector<1024x1xi32>
      %lt3A = arith.constant 0 : i32
      %lt3A_75 = vector.broadcast %lt3A : i32 to vector<1024x1xi32>
      %lt3A_76 = arith.cmpi slt, %rem3A_72, %lt3A_75 : vector<1024x1xi32>
      %lt3A_77 = arith.constant 0 : i32
      %lt3A_78 = arith.cmpi slt, %select_n3A, %lt3A_77 : i32
      %ne3A_79 = vector.broadcast %lt3A_78 : i1 to vector<1024x1xi1>
      %ne3A_80 = vector.broadcast %ne3A_79 : vector<1024x1xi1> to vector<1024x1xi1>
      %ne3A_81 = arith.xori %lt3A_76, %ne3A_80 : vector<1024x1xi1>
      %and3A = arith.andi %ne3A_81, %ne3A_74 : vector<1024x1xi1>
      %add3A = vector.broadcast %select_n3A : i32 to vector<1024x1xi32>
      %add3A_82 = arith.addi %rem3A_72, %add3A : vector<1024x1xi32>
      %select_n3A_83 = arith.select %and3A, %add3A_82, %rem3A_72 : vector<1024x1xi1>, vector<1024x1xi32>
      %ne3A_84 = arith.constant 511 : i32
      %ne3A_85 = vector.broadcast %ne3A_84 : i32 to vector<1024x1xi32>
      %ne3A_86 = arith.cmpi ne, %select_n3A_83, %ne3A_85 : vector<1024x1xi32>
      %get3A_87 = arith.constant 0 : index
      %get3A_88 = arith.constant 0 : index
      %get3A_89 = vector.load %arg2[%get3A_87, %get3A_88] : memref<3072x768xf32, #tpu.memory_space<vmem>>, vector<1024x768xf32>
      %convert_element_type3A_90 = arith.truncf %get3A_89 : vector<1024x768xf32> to vector<1024x768xbf16>
      %convert_element_type3A_91 = arith.extf %convert_element_type3A_90 : vector<1024x768xbf16> to vector<1024x768xf32>
      %mul3A = arith.mulf %convert_element_type3A_91, %convert_element_type3A_68 : vector<1024x768xf32>
      %reduce_sum3A_92 = arith.constant dense<0.000000e+00> : vector<1024xf32>
      %reduce_sum3A_93 = vector.multi_reduction <add>, %mul3A, %reduce_sum3A_92 [1] : vector<1024x768xf32> to vector<1024xf32>
      %broadcast_in_dim3A_94 = vector.shape_cast %reduce_sum3A_93 : vector<1024xf32> to vector<1024x1xf32>
      %get3A_95 = arith.constant 0 : index
      %get3A_96 = arith.constant 0 : index
      %get3A_97 = vector.load %arg7[%get3A_95, %get3A_96] : memref<3072x1xf32, #tpu.memory_space<vmem>>, vector<1024x1xf32>
      %log3A = math.log %get3A_97 : vector<1024x1xf32>
      %sub3A = arith.subf %log3A, %broadcast_in_dim3A_94 : vector<1024x1xf32>
      %jit3A_98 = arith.constant 0.000000e+00 : f32
      %broadcast_in_dim3A_99 = vector.broadcast %jit3A_98 : f32 to vector<1024x1xf32>
      %select_n3A_100 = arith.select %ne3A_86, %sub3A, %broadcast_in_dim3A_99 : vector<1024x1xi1>, vector<1024x1xf32>
      %reduce_sum3A_101 = vector.shape_cast %select_n3A_100 : vector<1024x1xf32> to vector<1x1024x1xf32>
      %reduce_sum3A_102 = arith.constant dense<0.000000e+00> : vector<1xf32>
      %reduce_sum3A_103 = vector.multi_reduction <add>, %reduce_sum3A_101, %reduce_sum3A_102 [1, 2] : vector<1x1024x1xf32> to vector<1xf32>
      %reduce_sum3A_104 = vector.shape_cast %reduce_sum3A_103 : vector<1xf32> to vector<1x1x1xf32>
      %reduce_sum3A_105 = vector.extract %reduce_sum3A_104[0, 0, 0] : f32 from vector<1x1x1xf32>
      %div3A = arith.constant 1.022000e+03 : f32
      %div3A_106 = arith.divf %reduce_sum3A_105, %div3A : f32
      %get3A_107 = arith.constant 1024 : index
      %get3A_108 = arith.constant 0 : index
      %get3A_109 = vector.load %arg2[%get3A_107, %get3A_108] : memref<3072x768xf32, #tpu.memory_space<vmem>>, vector<1024x768xf32>
      %convert_element_type3A_110 = arith.truncf %get3A_109 : vector<1024x768xf32> to vector<1024x768xbf16>
      %convert_element_type3A_111 = arith.extf %convert_element_type3A_110 : vector<1024x768xbf16> to vector<1024x768xf32>
      %mul3A_112 = arith.mulf %convert_element_type3A_111, %convert_element_type3A_68 : vector<1024x768xf32>
      %reduce_sum3A_113 = arith.constant dense<0.000000e+00> : vector<1024xf32>
      %reduce_sum3A_114 = vector.multi_reduction <add>, %mul3A_112, %reduce_sum3A_113 [1] : vector<1024x768xf32> to vector<1024xf32>
      %broadcast_in_dim3A_115 = vector.shape_cast %reduce_sum3A_114 : vector<1024xf32> to vector<1024x1xf32>
      %get3A_116 = arith.constant 1024 : index
      %get3A_117 = arith.constant 0 : index
      %get3A_118 = vector.load %arg7[%get3A_116, %get3A_117] : memref<3072x1xf32, #tpu.memory_space<vmem>>, vector<1024x1xf32>
      %log3A_119 = math.log %get3A_118 : vector<1024x1xf32>
      %sub3A_120 = arith.subf %log3A_119, %broadcast_in_dim3A_115 : vector<1024x1xf32>
      %jit3A_121 = arith.constant 0.000000e+00 : f32
      %broadcast_in_dim3A_122 = vector.broadcast %jit3A_121 : f32 to vector<1024x1xf32>
      %select_n3A_123 = arith.select %ne3A_86, %sub3A_120, %broadcast_in_dim3A_122 : vector<1024x1xi1>, vector<1024x1xf32>
      %reduce_sum3A_124 = vector.shape_cast %select_n3A_123 : vector<1024x1xf32> to vector<1x1024x1xf32>
      %reduce_sum3A_125 = arith.constant dense<0.000000e+00> : vector<1xf32>
      %reduce_sum3A_126 = vector.multi_reduction <add>, %reduce_sum3A_124, %reduce_sum3A_125 [1, 2] : vector<1x1024x1xf32> to vector<1xf32>
      %reduce_sum3A_127 = vector.shape_cast %reduce_sum3A_126 : vector<1xf32> to vector<1x1x1xf32>
      %reduce_sum3A_128 = vector.extract %reduce_sum3A_127[0, 0, 0] : f32 from vector<1x1x1xf32>
      %div3A_129 = arith.constant 1.022000e+03 : f32
      %div3A_130 = arith.divf %reduce_sum3A_128, %div3A_129 : f32
      %get3A_131 = arith.constant 2048 : index
      %get3A_132 = arith.constant 0 : index
      %get3A_133 = vector.load %arg2[%get3A_131, %get3A_132] : memref<3072x768xf32, #tpu.memory_space<vmem>>, vector<1024x768xf32>
      %convert_element_type3A_134 = arith.truncf %get3A_133 : vector<1024x768xf32> to vector<1024x768xbf16>
      %convert_element_type3A_135 = arith.extf %convert_element_type3A_134 : vector<1024x768xbf16> to vector<1024x768xf32>
      %mul3A_136 = arith.mulf %convert_element_type3A_135, %convert_element_type3A_68 : vector<1024x768xf32>
      %reduce_sum3A_137 = arith.constant dense<0.000000e+00> : vector<1024xf32>
      %reduce_sum3A_138 = vector.multi_reduction <add>, %mul3A_136, %reduce_sum3A_137 [1] : vector<1024x768xf32> to vector<1024xf32>
      %broadcast_in_dim3A_139 = vector.shape_cast %reduce_sum3A_138 : vector<1024xf32> to vector<1024x1xf32>
      %get3A_140 = arith.constant 2048 : index
      %get3A_141 = arith.constant 0 : index
      %get3A_142 = vector.load %arg7[%get3A_140, %get3A_141] : memref<3072x1xf32, #tpu.memory_space<vmem>>, vector<1024x1xf32>
      %log3A_143 = math.log %get3A_142 : vector<1024x1xf32>
      %sub3A_144 = arith.subf %log3A_143, %broadcast_in_dim3A_139 : vector<1024x1xf32>
      %jit3A_145 = arith.constant 0.000000e+00 : f32
      %broadcast_in_dim3A_146 = vector.broadcast %jit3A_145 : f32 to vector<1024x1xf32>
      %select_n3A_147 = arith.select %ne3A_86, %sub3A_144, %broadcast_in_dim3A_146 : vector<1024x1xi1>, vector<1024x1xf32>
      %reduce_sum3A_148 = vector.shape_cast %select_n3A_147 : vector<1024x1xf32> to vector<1x1024x1xf32>
      %reduce_sum3A_149 = arith.constant dense<0.000000e+00> : vector<1xf32>
      %reduce_sum3A_150 = vector.multi_reduction <add>, %reduce_sum3A_148, %reduce_sum3A_149 [1, 2] : vector<1x1024x1xf32> to vector<1xf32>
      %reduce_sum3A_151 = vector.shape_cast %reduce_sum3A_150 : vector<1xf32> to vector<1x1x1xf32>
      %reduce_sum3A_152 = vector.extract %reduce_sum3A_151[0, 0, 0] : f32 from vector<1x1x1xf32>
      %div3A_153 = arith.constant 1.022000e+03 : f32
      %div3A_154 = arith.divf %reduce_sum3A_152, %div3A_153 : f32
      %sub3A_155 = arith.subf %div3A_106, %div3A_130 : f32
      %sub3A_156 = arith.subf %div3A_106, %div3A_154 : f32
      %broadcast_in_dim3A_157 = vector.broadcast %div3A_106 : f32 to vector<1x1xf32>
      %swap3A = arith.constant 0 : index
      %swap3A_158 = arith.constant 0 : index
      %swap3A_159 = vector.load %arg5[%swap3A, %swap3A_158] : memref<1x1xf32, #tpu.memory_space<vmem>>, vector<1x1xf32>
      tpu.vector_store %arg5[%swap3A, %swap3A_158], %broadcast_in_dim3A_157 {strides = array<i32>} : memref<1x1xf32, #tpu.memory_space<vmem>>, vector<1x1xf32>,
      %iota3A_160 = tpu.iota {dimensions = array<i32: 1>} : vector<1x1024xi32>
      %get3A_161 = arith.constant 0 : index
      %get3A_162 = memref.load %arg1[%get3A_161] : memref<2xi32, #tpu.memory_space<smem>>
      %eq3A_163 = vector.broadcast %get3A_162 : i32 to vector<1x1024xi32>
      %eq3A_164 = arith.cmpi eq, %iota3A_160, %eq3A_163 : vector<1x1024xi32>
      %jit3A_165 = arith.constant 0.000000e+00 : f32
      %broadcast_in_dim3A_166 = vector.broadcast %sub3A_155 : f32 to vector<1x1024xf32>
      %broadcast_in_dim3A_167 = vector.broadcast %jit3A_165 : f32 to vector<1x1024xf32>
      %select_n3A_168 = arith.select %eq3A_164, %broadcast_in_dim3A_166, %broadcast_in_dim3A_167 : vector<1x1024xi1>, vector<1x1024xf32>
      %get3A_169 = arith.constant 1 : index
      %get3A_170 = memref.load %arg1[%get3A_169] : memref<2xi32, #tpu.memory_space<smem>>
      %eq3A_171 = vector.broadcast %get3A_170 : i32 to vector<1x1024xi32>
      %eq3A_172 = arith.cmpi eq, %iota3A_160, %eq3A_171 : vector<1x1024xi32>
      %jit3A_173 = arith.constant 0.000000e+00 : f32
      %broadcast_in_dim3A_174 = vector.broadcast %sub3A_156 : f32 to vector<1x1024xf32>
      %broadcast_in_dim3A_175 = vector.broadcast %jit3A_173 : f32 to vector<1x1024xf32>
      %select_n3A_176 = arith.select %eq3A_172, %broadcast_in_dim3A_174, %broadcast_in_dim3A_175 : vector<1x1024xi1>, vector<1x1024xf32>
      %add3A_177 = arith.addf %select_n3A_168, %select_n3A_176 : vector<1x1024xf32>
      %neg3A = arith.constant 0.000000e+00 : f32
      %neg3A_178 = vector.broadcast %neg3A : f32 to vector<1x1024xf32>
      %neg3A_179 = arith.subf %neg3A_178, %add3A_177 : vector<1x1024xf32>
      %swap3A_180 = arith.constant 0 : index
      %swap3A_181 = arith.constant 0 : index
      %swap3A_182 = vector.load %arg6[%swap3A_180, %swap3A_181] : memref<1x1024xf32, #tpu.memory_space<vmem>>, vector<1x1024xf32>
      tpu.vector_store %arg6[%swap3A_180, %swap3A_181], %neg3A_179 {strides = array<i32>} : memref<1x1024xf32, #tpu.memory_space<vmem>>, vector<1x1024xf32>,
    } else {
    }
    return
  }
  func.func @transform_0(%arg0: i32) -> i32 {
    %c0_i32 = arith.constant 0 : i32
    %c0_i32_0 = arith.constant 0 : i32
    return %c0_i32 : i32
  }
  func.func @transform_1(%arg0: i32) -> (i32, i32) {
    %c0_i32 = arith.constant 0 : i32
    %c0_i32_0 = arith.constant 0 : i32
    %c0_i32_1 = arith.constant 0 : i32
    return %c0_i32, %c0_i32_0 : i32, i32
  }
  func.func @transform_2(%arg0: i32) -> (i32, i32) {
    %c0_i32 = arith.constant 0 : i32
    %c0_i32_0 = arith.constant 0 : i32
    return %arg0, %c0_i32 : i32, i32
  }
  func.func @transform_3(%arg0: i32) -> (i32, i32) {
    %c0_i32 = arith.constant 0 : i32
    %c0_i32_0 = arith.constant 0 : i32
    %c0_i32_1 = arith.constant 0 : i32
    return %c0_i32, %c0_i32_0 : i32, i32
  }
  func.func @transform_4(%arg0: i32) -> (i32, i32) {
    %c0_i32 = arith.constant 0 : i32
    %c0_i32_0 = arith.constant 0 : i32
    %c0_i32_1 = arith.constant 0 : i32
    return %c0_i32, %c0_i32_0 : i32, i32
  }
  func.func @transform_5(%arg0: i32) -> (i32, i32) {
    %c0_i32 = arith.constant 0 : i32
    %c0_i32_0 = arith.constant 0 : i32
    %c0_i32_1 = arith.constant 0 : i32
    return %c0_i32, %c0_i32_0 : i32, i32
  }
}

</mosaic_0001>

<sc_bundles>
// kernel: kernel.10.cloned.1.call-start
scs
__scs_entry_jumppad:
0x0: {  	(pc) =	sbr.rel $0x88, $3  }
0x1: {  	(tag) =	ssettag $0x0;
	lr =	simm.s32 $0x1  }
0x2: {  	[smem:$0x3F83] =	sst lr;
	_ =	strace $0xD0000000  }
0x3: {  	_ = 	snop  }
0x4: {  	_ = 	snop  }
0x5: {  	_ = 	snop  }
0x6: {  	_ = 	snop  }
0x7: {  	_ = 	snop  }
__scs_overlays_trampoline_lowered:
0x8: {  	[smem:$0x3F92] =	sst s0  }
0x9: {  	[smem:$0x3F93] =	sst s1  }
0xa: {  	[smem:$0x3F94] =	sst s2  }
0xb: {  	[smem:$0x3F95] =	sst s3  }
0xc: {  	[smem:$0x3F96] =	sst s4  }
0xd: {  	[smem:$0x3F97] =	sst s5  }
0xe: {  	[smem:$0x3F98] =	sst s6  }
0xf: {  	[smem:$0x3F99] =	sst s7  }
0x10: {  	[smem:$0x3F9A] =	sst s8  }
0x11: {  	[smem:$0x3F9B] =	sst s9;
	s0 =	simm.s32 @!p0 $0x0  }
0x12: {  	s1 =	sld [smem:$0x3F81];
	s0 =	simm.s32 @p0 $0x1  }
0x13: {  	[smem:$0x3F9C] =	sst s0;
	s0 =	simm.s32 @!p1 $0x0  }
0x14: {  	s2 =	sld [smem:$0x3F80];
	s0 =	simm.s32 @p1 $0x1  }
0x15: {  	[smem:$0x3F9D] =	sst s0;
	s0 =	simm.s32 @!p2 $0x0  }
0x16: {  	s3 =	sld [smem:$0x3FDB];
	s0 =	simm.s32 @p2 $0x1  }
0x17: {  	s4 =	simm.s32 $0x1BF5;
	[smem:$0x3F9F] =	sst s0  }
0x18: {  	s0 =	sld [smem:$0x3F82];
	_ =	swait.ge [sflag:s4], $0x0  }
0x19: {  	s7 =	sld [smem:$0x3F83]  }
0x1a: {  	s8 =	sadd.s32 $0xFFFFE003, lr  }
0x1b: {  	s9 =	sadd.s32 $0xFFFFFEF7, lr;
	s5 =	simm.s32 $0xFFFFFFFF;
	p2 =	slt.u32 s8, $0xFFFFF086  }
0x1c: {  	p1 =	slt.u32 s9, $0xF7A;
	s5 =	simm.s32 @!p2 $0x0  }
0x1d: {  	s5 =	simm.s32 @p1 $0x1;
	p0 =	seq.s32 s7, s2  }
0x1e: {  	s7 =	smul.u32 @!p0 $0xF7A, s2;
	p2 =	seq.s32 @!p0 s5, $0x0  }
0x1f: {  	s9 =	smul.u32 $0xF7A, s1;
	s8 =	simm.s32 @!p0 $0x1BF5;
	p2 =	por !p2, p0  }
0x20: {  	[sflag:s8] =	ssyncset.s32 @!p0 $0xFFFFF086;
	s6 =	sadd.s32 @!p0 s3, s7;
	s7 =	simm.s32 @!p0 $0x108  }
0x21: {  	s3 =	sadd.s32 s3, s9;
	s6 =	sadd.s32 @!p0 $0x88, s6;
	s7 =	simm.s32 @p2 $0x1082  }
0x22: {  	[simem:s7], [sflag:s8] =	dma.local @!p0 [hbm:s6], $0xF7A  }
0x23: {  	s9 =	sor.u32 $0xD0000000, s2;
	s6 =	simm.s32 $0x108;
	_ =	swait.ge @!p0 [sflag:s8], $0x0  }
0x24: {  	s3 =	sadd.s32 $0x88, s3;
	s6 =	simm.s32 @!p1 $0x1082;
	[sflag:s4] =	ssyncset.s32 $0xFFFFF086  }
0x25: {  	[simem:s6], [sflag:s4] =	dma.local [hbm:s3], $0xF7A  }
0x26: {  	[smem:$0x3F83] =	sst s1;
	(tag) =	ssettag s2;
	_ =	strace s9  }
0x27: {  	s1 =	sld [smem:$0x3F93]  }
0x28: {  	s2 =	sld [smem:$0x3F94]  }
0x29: {  	s4 =	sld [smem:$0x3F96]  }
0x2a: {  	p0 =	seq.s32 s5, $0x0;
	s5 =	sld [smem:$0x3F97]  }
0x2b: {  	s6 =	sld [smem:$0x3F98]  }
0x2c: {  	s7 =	sld [smem:$0x3F99]  }
0x2d: {  	s3 =	simm.s32 $0x108;
	s8 =	sld [smem:$0x3F9A]  }
0x2e: {  	s3 =	simm.s32 @!p0 $0x1082;
	s9 =	sld [smem:$0x3F9B]  }
0x2f: {  	lr =	sadd.s32 s0, s3;
	s0 =	sld [smem:$0x3F92]  }
0x30: {  	s3 =	sld [smem:$0x3F95]  }
0x31: {  	[smem:$0x3F9E] =	sst s10  }
0x32: {  	s10 =	sld [smem:$0x3F9C];
	_ =	sdelay $0x3  }
0x33: {  	p0 =	seq.s32 s10, $0x1;
	s10 =	sld [smem:$0x3F9E];
	_ =	sdelay $0x3  }
0x34: {  	[smem:$0x3F9E] =	sst s10  }
0x35: {  	s10 =	sld [smem:$0x3F9D];
	_ =	sdelay $0x3  }
0x36: {  	p1 =	seq.s32 s10, $0x1;
	s10 =	sld [smem:$0x3F9E];
	_ =	sdelay $0x3  }
0x37: {  	[smem:$0x3F9E] =	sst s10  }
0x38: {  	s10 =	sld [smem:$0x3F9F]  }
0x39: {  	_ = 	snop;
	(pc) =	sbr.ind lr, $3  }
0x3a: {  	_ = 	snop  }
0x3b: {  	_ = 	snop  }
0x3c: {  	p2 =	seq.s32 s10, $0x1;
	s10 =	sld [smem:$0x3F9E]  }
0x3d: {  	_ =	shalt  }
0x3e: {  	_ =	shalt  }
0x3f: {  	_ =	shalt  }
0x40: {  	_ =	shalt  }
0x41: {  	_ =	shalt  }
0x42: {  	_ =	shalt  }
0x43: {  	_ =	shalt  }
0x44: {  	_ =	shalt  }
0x45: {  	_ =	shalt  }
0x46: {  	_ =	shalt  }
0x47: {  	_ =	shalt  }
0x48: {  	_ =	shalt  }
0x49: {  	_ =	shalt  }
0x4a: {  	_ =	shalt  }
0x4b: {  	_ =	shalt  }
0x4c: {  	_ =	shalt  }
0x4d: {  	_ =	shalt  }
0x4e: {  	_ =	shalt  }
0x4f: {  	_ =	shalt  }
0x50: {  	_ =	shalt  }
0x51: {  	_ =	shalt  }
0x52: {  	_ =	shalt  }
0x53: {  	_ =	shalt  }
0x54: {  	_ =	shalt  }
0x55: {  	_ =	shalt  }
0x56: {  	_ =	shalt  }
0x57: {  	_ =	shalt  }
0x58: {  	_ =	shalt  }
0x59: {  	_ =	shalt  }
0x5a: {  	_ =	shalt  }
0x5b: {  	_ =	shalt  }
0x5c: {  	_ =	shalt  }
0x5d: {  	_ =	shalt  }
0x5e: {  	_ =	shalt  }
0x5f: {  	_ =	shalt  }
0x60: {  	_ =	shalt  }
0x61: {  	_ =	shalt  }
0x62: {  	_ =	shalt  }
0x63: {  	_ =	shalt  }
0x64: {  	_ =	shalt  }
0x65: {  	_ =	shalt  }
0x66: {  	_ =	shalt  }
0x67: {  	_ =	shalt  }
0x68: {  	_ =	shalt  }
0x69: {  	_ =	shalt  }
0x6a: {  	_ =	shalt  }
0x6b: {  	_ =	shalt  }
0x6c: {  	_ =	shalt  }
0x6d: {  	_ =	shalt  }
0x6e: {  	_ =	shalt  }
0x6f: {  	_ =	shalt  }
0x70: {  	_ =	shalt  }
0x71: {  	_ =	shalt  }
0x72: {  	_ =	shalt  }
0x73: {  	_ =	shalt  }
0x74: {  	_ =	shalt  }
0x75: {  	_ =	shalt  }
0x76: {  	_ =	shalt  }
0x77: {  	_ =	shalt  }
0x78: {  	_ =	shalt  }
0x79: {  	_ =	shalt  }
0x7a: {  	_ =	shalt  }
0x7b: {  	_ =	shalt  }
0x7c: {  	_ =	shalt  }
0x7d: {  	_ =	shalt  }
0x7e: {  	_ =	shalt  }
0x7f: {  	_ =	shalt  }
0x80: {  	_ =	shalt  }
0x81: {  	_ =	shalt  }
0x82: {  	_ =	shalt  }
0x83: {  	_ =	shalt  }
0x84: {  	_ =	shalt  }
0x85: {  	_ =	shalt  }
0x86: {  	_ =	shalt  }
0x87: {  	_ =	shalt  }
.Lfunc_end0:
.L_simem_size_0:
called_computation.1_lowered:
.L_overlay_start_0:
0x88: {  	s2 =	sld [smem:$0x3FD9]  }
0x89: {  	s3 =	sld [smem:$0x3FFE];
	_ =	sdelay $0x1  }
0x8a: {  	s1 =	srdreg.scid  }
0x8b: {  	s0 =	sand.u32 $0x1, s1  }
0x8c: {  	s17 =	sshll.u32 s0, $0xA;
	s2 =	sadd.s32 s3, s2  }
0x8d: {  	s2 =	sadd.s32 s2, s17  }
0x8e: {  	[smem:$0x3FAA] =	sst s2  }
0x8f: {  	_ = 	snop  }
0x90: {  	s18 =	sld [smem:$0x3FC7];
	(tm) =	ssettm $0x1  }
0x91: {  	s19 =	sld [smem:$0x3FFB];
	_ =	sdelay $0x3  }
0x92: {  	_ =	strace s19  }
0x93: {  	s2 =	sld [smem:$0x3FFC];
	_ =	sdelay $0x3  }
0x94: {  	_ =	strace s2  }
0x95: {  	s2 =	sld [smem:$0x3FFD];
	_ =	sdelay $0x3  }
0x96: {  	_ =	strace s2  }
0x97: {  	_ =	strace $0x8FFFFFFF  }
0x98: {  	s20 =	sld [smem:$0x3FDB];
	_ =	sdelay $0x1  }
0x99: {  	s4 =	simm.s32 $_scs_section_size  }
0x9a: {  	s5 =	simm.s32 $_size__tile_overlayer_lowered;
	s6 =	simm.s32 $_tile_overlayer_lowered  }
0x9b: {  	s7 =	simm.s32 $0x1BFF;
	s21 =	sshll.u32 s6, $0x1;
	s4 =	sadd.s32 s4, s20  }
0x9c: {  	s22 =	simm.s32 $0x0;
	s5 =	sshll.u32 s5, $0x1;
	s6 =	sadd.s32 s21, s4  }
0x9d: {  	[timem:s22], [sflag:s7] =	dma.local [hbm:s6], s5  }
0x9e: {  	_ =	swait.ge [sflag:s7], s5  }
0x9f: {  	s5 =	ssub.s32 $0x0, s5;
	[sflag:s7] =	ssyncset.done $0x0  }
0xa0: {  	[sflag:s7] =	ssyncadd.s32 s5;
	_ =	sdelay $0x1  }
0xa1: {  	s23 =	simm.s32 $0x1B8B  }
0xa2: {  	_ =	swait.ge [sflag:s23], $0x1  }
0xa3: {  	[sflag:s23] =	ssyncset.done $0x0  }
0xa4: {  	[sflag:s23] =	ssyncadd.s32 $0xFFFFFFFF  }
0xa5: {  	s5 =	sld [smem:$0x0]  }
0xa6: {  	s6 =	sand.u32 $0xFFFFFFFE, s1  }
0xa7: {  	p0 =	sne.s32 s1, s6  }
0xa8: {  	s6 =	sshll.u32 @p0 s6, $0xE  }
0xa9: {  	s6 =	sadd.s32 @p0 $0x11B8D, s6;
	s7 =	sshll.u32 @p0 s5, $0x11  }
0xaa: {  	s6 =	sor.u32 @p0 s7, s6  }
0xab: {  	[sflag:s6] =	ssyncadd.remote.s32 @p0 $0x1;
	_ =	sdelay $0x1  }
0xac: {  	s6 =	simm.s32 @p0 $0x1B8D  }
0xad: {  	_ =	swait.eq @p0 [sflag:s6], $0x1  }
0xae: {  	[sflag:s6] =	ssyncadd.s32 @p0 $0xFFFFFFFF  }
0xaf: {  	s7 =	sshll.u32 @!p0 s1, $0xE  }
0xb0: {  	s7 =	sor.u32 @!p0 $0x4000, s7;
	s6 =	simm.s32 @!p0 $0x1B8D  }
0xb1: {  	s5 =	sshll.u32 @!p0 s5, $0x11;
	s7 =	sadd.s32 @!p0 $0x11B8D, s7;
	_ =	swait.eq @!p0 [sflag:s6], $0x1  }
0xb2: {  	s5 =	sor.u32 @!p0 s5, s7;
	[sflag:s6] =	ssyncadd.s32 @!p0 $0xFFFFFFFF  }
0xb3: {  	s25 =	simm.s32 $0x1B8E;
	s24 =	sld [smem:$0x3FFE];
	[sflag:s5] =	ssyncadd.remote.s32 @!p0 $0x1  }
0xb4: {  	s26 =	simm.s32 $execute0_lowered;
	[smem:$0x3FD2] =	sst s25  }
0xb5: {  	s6 =	sshll.u32 s26, $0x1;
	_ =	strace $0x80000049;
	[dreg:$0x1] =	wrdreg $0xFFFFFFFF  }
0xb6: {  	s28 =	simm.s32 $_size_execute0_lowered;
	s4 =	sadd.s32 s4, s6;
	[dreg:$0x0] =	wrdreg $0x0  }
0xb7: {  	s6 =	sshll.u32 s28, $0x1;
	[dreg:$0x2] =	wrdreg s4  }
0xb8: {  	[dreg:$0x3] =	wrdreg s6  }
0xb9: {  	[dreg:$0x4] =	wrdreg $0xC0  }
0xba: {  	_ =	task [dreg:s22], $0x5FFFF  }
0xbb: {  	[dreg:$0x1] =	wrdreg $0xFFFFFFFF  }
0xbc: {  	[dreg:$0x0] =	wrdreg $0x60  }
0xbd: {  	[dreg:$0x2] =	wrdreg s18  }
0xbe: {  	[dreg:$0x3] =	wrdreg s24  }
0xbf: {  	[dreg:$0x4] =	wrdreg $0xA  }
0xc0: {  	_ =	task.clear_ibuf [dreg:s22], $0x5FFFF;
	_ =	strace $0x90000049  }
0xc1: {  	s29 =	simm.s32 $0xA;
	_ =	strace $0x8000004B  }
0xc2: {  	_ =	swait.ge [sflag:s29], $0x1  }
0xc3: {  	[sflag:s29] =	ssyncadd.s32 $0xFFFFFFFF  }
0xc4: {  	_ =	strace $0x9000004B  }
0xc5: {  	_ =	sfence  }
0xc6: {  	s30 =	sld [smem:$0x0];
	_ =	sdelay $0x2  }
0xc7: {  	s31 =	sshll.u32 s1, $0xD;
	s1 =	sshrl.u32 s1, $0x2  }
0xc8: {  	s4 =	sand.u32 $0x4000, s31;
	s1 =	sadd.s32 s1, s30  }
0xc9: {  	s0 =	sor.u32 s4, s0;
	s1 =	sshll.u32 s1, $0x11  }
0xca: {  	s0 =	sor.u32 s1, s0  }
0xcb: {  	s0 =	sadd.s32 $0x8F2B, s0  }
0xcc: {  	[sflag:s0] =	ssyncadd.remote.s32 $0x1  }
0xcd: {  	_ =	sfence.sel $0xFFFF  }
0xce: {  	[dreg:$0x0] =	wrdreg $0xFFFFFFFF;
	(pc) =	sbr.abs _section_cstart, $3  }
0xcf: {  	[dreg:$0x1] =	wrdreg $0xFFFFFFFF  }
0xd0: {  	_ =	task.clear_ibuf [dreg:s22], $0x2FFFF;
	_ =	strace $0x9FFFFFFF  }
0xd1: {  	(tm) =	ssettm $0x7FFFFFFF  }
tec
execute0_lowered:
.L_overlay_start_1:
0x0: {  	(tag) =	ssettag $0x1  }
0x1: {  	s1 =	srdreg.scid;
	s2 =	rddreg [dreg:$0x0]  }
0x2: {  	s0 =	stileid.u32;
	s5 =	rddreg [dreg:$0x1]  }
0x3: {  	s3 =	simm.s32 $0x0;
	s9 =	simm.s32 $0x2;
	s10 =	simm.s32 $0x80  }
0x4: {  	s11 =	simm.s32 $0x880;
	s12 =	simm.s32 $0x1080;
	s13 =	simm.s32 $0x1880  }
0x5: {  	s14 =	simm.s32 $0x2080;
	s15 =	simm.s32 $0x2880;
	s16 =	simm.s32 $0x3080  }
0x6: {  	s17 =	simm.s32 $0x3880;
	s18 =	simm.s32 $0x4080;
	s19 =	simm.s32 $0x4880  }
0x7: {  	s20 =	simm.s32 $0x5080;
	s21 =	simm.s32 $0x5880;
	s4 =	sand.u32 $0x1, s1  }
0x8: {  	s22 =	simm.s32 $0x1;
	s6 =	sshll.u32 s0, $0x3;
	s7 =	sshll.u32 s4, $0x2  }
0x9: {  	s1 =	rddreg [dreg:$0x2];
	s4 =	ssub.s32 $0x2, s4;
	s6 =	sor.u32 s7, s6  }
0xa: {  	[smem:$0x7FF] =	sst s3;
	s8 =	sshrl.u32 s4, $0x1;
	s7 =	smul.u32 $0x300, s6  }
0xb: {  	v2 =	vlaneseq.u32;
	_ =	strace $0x8000004A;
	s6 =	sadd.s32 s6, s5;
	s8 =	ssub.s32 s4, s8  }
0xc: {  	vm0 =	vmmov $0xffff;
	v1 =	vshrl.u32 v2, $0x3;
	s4 =	sadd.s32 $0x1EA00, s6;
	s6 =	sadd.s32 $0x200, s2;
	s7 =	sadd.s32 s7, s5  }
0xd: {  	v0 =	vand.u32 $0x7, v2;
	v2 =	vor.u32 $0x8, v2;
	v1 =	vmul.u32 $0x8, v1;
	s8 =	smax.u32 s8, $0x1;
	s5 =	sadd.s32 $0x100, s2;
	s7 =	sadd.s32 $0x1EC00, s7  }
.LBB2_1:
0xe: {  	[tilespmem:s3], [sflag:$0x2] =	stream.linear.gather [hbm4b:s4+s3], $0x20, $0x38;
	[tilespmem:$0x6080] =	vst v63  }
0xf: {  	_ =	swait.ge [sflag:s9], $0x20  }
0x10: {  	[sflag:s9] =	ssyncset.done $0x0  }
0x11: {  	[sflag:s9] =	ssyncadd.s32 $0xFFFFFFE0  }
0x12: {  	v3 =	vld [tilespmem:$0x0];
	_ =	sdelay $0x4  }
0x13: {  	v4 =	vshrl.u32 v3, $0x3  }
0x14: {  	v4 =	vmul.u32 $0x30, v4  }
0x15: {  	v3 =	vand.u32 $0x7, v3  }
0x16: {  	v3 =	vor.u32 v3, v4  }
0x17: {  	v4 =	vperm.xlane v3, v0;
	_ =	sdelay $0x1  }
0x18: {  	v4 =	vadd.s32 v1, v4;
	_ =	sdelay $0x3  }
0x19: {  	v3 =	vperm.xlane v3, v2  }
0x1a: {  	[tilespmem:s10], [sflag:$0x1] =	stream.indirect_vreg.gather [hbm4b:s2+s3], $0x80, v4, vm0, $0xb8;
	[tilespmem:$0x6080] =	vst v63  }
0x1b: {  	v3 =	vadd.s32 v1, v3  }
0x1c: {  	[tilespmem:s11], [sflag:$0x1] =	stream.indirect_vreg.gather [hbm4b:s5+s3], $0x80, v4, vm0, $0xb8;
	[tilespmem:$0x6080] =	vst v63  }
0x1d: {  	_ = 	snop  }
0x1e: {  	[tilespmem:s12], [sflag:$0x1] =	stream.indirect_vreg.gather [hbm4b:s6+s3], $0x80, v4, vm0, $0xb8;
	[tilespmem:$0x6080] =	vst v63  }
0x1f: {  	_ = 	snop  }
0x20: {  	[tilespmem:s13], [sflag:$0x1] =	stream.indirect_vreg.gather [hbm4b:s2+s3], $0x80, v3, vm0, $0xb8;
	[tilespmem:$0x6080] =	vst v63  }
0x21: {  	_ = 	snop  }
0x22: {  	[tilespmem:s14], [sflag:$0x1] =	stream.indirect_vreg.gather [hbm4b:s5+s3], $0x80, v3, vm0, $0xb8;
	[tilespmem:$0x6080] =	vst v63  }
0x23: {  	_ = 	snop  }
0x24: {  	[tilespmem:s15], [sflag:$0x1] =	stream.indirect_vreg.gather [hbm4b:s6+s3], $0x80, v3, vm0, $0xb8;
	[tilespmem:$0x6080] =	vst v63  }
0x25: {  	v3 =	vld [tilespmem:$0x10];
	_ =	sdelay $0x4  }
0x26: {  	v63 =	vshrl.u32 v3, $0x3  }
0x27: {  	v4 =	vmul.u32 $0x30, v63  }
0x28: {  	v3 =	vand.u32 $0x7, v3  }
0x29: {  	v3 =	vor.u32 v3, v4  }
0x2a: {  	v4 =	vperm.xlane v3, v0;
	_ =	sdelay $0x1  }
0x2b: {  	v4 =	vadd.s32 v1, v4;
	_ =	sdelay $0x3  }
0x2c: {  	v3 =	vperm.xlane v3, v2  }
0x2d: {  	[tilespmem:s16], [sflag:$0x1] =	stream.indirect_vreg.gather [hbm4b:s2+s3], $0x80, v4, vm0, $0xb8;
	[tilespmem:$0x6080] =	vst v63  }
0x2e: {  	v3 =	vadd.s32 v1, v3  }
0x2f: {  	[tilespmem:s17], [sflag:$0x1] =	stream.indirect_vreg.gather [hbm4b:s5+s3], $0x80, v4, vm0, $0xb8;
	[tilespmem:$0x6080] =	vst v63  }
0x30: {  	_ = 	snop  }
0x31: {  	[tilespmem:s18], [sflag:$0x1] =	stream.indirect_vreg.gather [hbm4b:s6+s3], $0x80, v4, vm0, $0xb8;
	[tilespmem:$0x6080] =	vst v63  }
0x32: {  	_ = 	snop  }
0x33: {  	[tilespmem:s19], [sflag:$0x1] =	stream.indirect_vreg.gather [hbm4b:s2+s3], $0x80, v3, vm0, $0xb8;
	[tilespmem:$0x6080] =	vst v63  }
0x34: {  	_ = 	snop  }
0x35: {  	[tilespmem:s20], [sflag:$0x1] =	stream.indirect_vreg.gather [hbm4b:s5+s3], $0x80, v3, vm0, $0xb8;
	[tilespmem:$0x6080] =	vst v63  }
0x36: {  	_ = 	snop  }
0x37: {  	[tilespmem:s21], [sflag:$0x1] =	stream.indirect_vreg.gather [hbm4b:s6+s3], $0x80, v3, vm0, $0xb8;
	[tilespmem:$0x6080] =	vst v63  }
0x38: {  	_ =	swait.ge [sflag:s22], $0x6000  }
0x39: {  	p0 =	sne.s32 s8, $0x1;
	[sflag:s22] =	ssyncset.done $0x0  }
.Ltmp0:
0x3a: {  	[sflag:s22] =	ssyncadd.s32 $0xFFFFA000;
	(pc) =	sbr.rel @p0 .LBB2_1-.Ltmp0, $4  }
0x3b: {  	[hbm4b:s7+s3] =	stream.linear.scatter [tilespmem:s10], [sflag:$0x2], $0x6000, $0x38;
	[tilespmem:$0x6080] =	vst v63  }
0x3c: {  	_ =	swait.ge [sflag:s9], $0x6000  }
0x3d: {  	[sflag:s9] =	ssyncset.done $0x0  }
0x3e: {  	s8 =	sadd.s32 $0xFFFFFFFF, s8;
	[sflag:s9] =	ssyncadd.s32 $0xFFFFA000  }
0x3f: {  	_ =	sfence.sel $0x180000  }
0x40: {  	[bflag:$0x0] =	sbarrier.arrive $0xFFFF  }
0x41: {  	p0 =	sne.s32 s0, $0x0;
	_ =	strace $0x9000004A  }
0x42: {  	s0 =	sadd.s32 @!p0 $0x100000, s1;
	[bflag:$0x2] =	sbarrier.arrive $0xFFFF  }
0x43: {  	[sflag:s0] =	ssyncadd.tile.s32 @!p0 $0x1;
	_ =	shalt  }
.Lfunc_end2:
_tile_overlayer_lowered:
.L_overlay_start_2:
0x44: {  	(tag) =	ssettag $0x2  }
0x45: {  	s0 =	rddreg [dreg:$0x0];
	s2 =	stileid.u32  }
0x46: {  	s1 =	rddreg [dreg:$0x1];
	p0 =	sne.s32 s2, $0x0  }
0x47: {  	s3 =	rddreg [dreg:$0x2];
	[bflag:$0x3] =	sbarrier.arrive $0xFFFF;
	s2 =	simm.s32 @!p0 $0x1C02  }
0x48: {  	[timem:s3], [sflag:s2] =	dma.local @!p0 [hbm:s0], s1  }
0x49: {  	s0 =	simm.s32 @!p0 $0x2  }
0x4a: {  	_ =	swait.ge @!p0 [sflag:s0], s1  }
0x4b: {  	s1 =	ssub.s32 @!p0 $0x0, s1;
	[sflag:s0] =	ssyncset.done @!p0 $0x0  }
0x4c: {  	[sflag:s0] =	ssyncadd.s32 @!p0 s1  }
0x4d: {  	[bflag:$0x3] =	sbarrier.arrive $0xFFFF  }
0x4e: {  	_ =	shalt  }

// kernel: kernel.7.cloned.1.call-start
scs
__scs_entry_jumppad:
0x0: {  	(pc) =	sbr.rel $0x88, $3  }
0x1: {  	(tag) =	ssettag $0x0;
	lr =	simm.s32 $0x1  }
0x2: {  	[smem:$0x3F83] =	sst lr;
	_ =	strace $0xD0000000  }
0x3: {  	_ = 	snop  }
0x4: {  	_ = 	snop  }
0x5: {  	_ = 	snop  }
0x6: {  	_ = 	snop  }
0x7: {  	_ = 	snop  }
__scs_overlays_trampoline_lowered:
0x8: {  	[smem:$0x3F92] =	sst s0  }
0x9: {  	[smem:$0x3F93] =	sst s1  }
0xa: {  	[smem:$0x3F94] =	sst s2  }
0xb: {  	[smem:$0x3F95] =	sst s3  }
0xc: {  	[smem:$0x3F96] =	sst s4  }
0xd: {  	[smem:$0x3F97] =	sst s5  }
0xe: {  	[smem:$0x3F98] =	sst s6  }
0xf: {  	[smem:$0x3F99] =	sst s7  }
0x10: {  	[smem:$0x3F9A] =	sst s8  }
0x11: {  	[smem:$0x3F9B] =	sst s9;
	s0 =	simm.s32 @!p0 $0x0  }
0x12: {  	s1 =	sld [smem:$0x3F81];
	s0 =	simm.s32 @p0 $0x1  }
0x13: {  	[smem:$0x3F9C] =	sst s0;
	s0 =	simm.s32 @!p1 $0x0  }
0x14: {  	s2 =	sld [smem:$0x3F80];
	s0 =	simm.s32 @p1 $0x1  }
0x15: {  	[smem:$0x3F9D] =	sst s0;
	s0 =	simm.s32 @!p2 $0x0  }
0x16: {  	s3 =	sld [smem:$0x3FDB];
	s0 =	simm.s32 @p2 $0x1  }
0x17: {  	s4 =	simm.s32 $0x1BF5;
	[smem:$0x3F9F] =	sst s0  }
0x18: {  	s0 =	sld [smem:$0x3F82];
	_ =	swait.ge [sflag:s4], $0x0  }
0x19: {  	s7 =	sld [smem:$0x3F83]  }
0x1a: {  	s8 =	sadd.s32 $0xFFFFE003, lr  }
0x1b: {  	s9 =	sadd.s32 $0xFFFFFEF7, lr;
	s5 =	simm.s32 $0xFFFFFFFF;
	p2 =	slt.u32 s8, $0xFFFFF086  }
0x1c: {  	p1 =	slt.u32 s9, $0xF7A;
	s5 =	simm.s32 @!p2 $0x0  }
0x1d: {  	s5 =	simm.s32 @p1 $0x1;
	p0 =	seq.s32 s7, s2  }
0x1e: {  	s7 =	smul.u32 @!p0 $0xF7A, s2;
	p2 =	seq.s32 @!p0 s5, $0x0  }
0x1f: {  	s9 =	smul.u32 $0xF7A, s1;
	s8 =	simm.s32 @!p0 $0x1BF5;
	p2 =	por !p2, p0  }
0x20: {  	[sflag:s8] =	ssyncset.s32 @!p0 $0xFFFFF086;
	s6 =	sadd.s32 @!p0 s3, s7;
	s7 =	simm.s32 @!p0 $0x108  }
0x21: {  	s3 =	sadd.s32 s3, s9;
	s6 =	sadd.s32 @!p0 $0x88, s6;
	s7 =	simm.s32 @p2 $0x1082  }
0x22: {  	[simem:s7], [sflag:s8] =	dma.local @!p0 [hbm:s6], $0xF7A  }
0x23: {  	s9 =	sor.u32 $0xD0000000, s2;
	s6 =	simm.s32 $0x108;
	_ =	swait.ge @!p0 [sflag:s8], $0x0  }
0x24: {  	s3 =	sadd.s32 $0x88, s3;
	s6 =	simm.s32 @!p1 $0x1082;
	[sflag:s4] =	ssyncset.s32 $0xFFFFF086  }
0x25: {  	[simem:s6], [sflag:s4] =	dma.local [hbm:s3], $0xF7A  }
0x26: {  	[smem:$0x3F83] =	sst s1;
	(tag) =	ssettag s2;
	_ =	strace s9  }
0x27: {  	s1 =	sld [smem:$0x3F93]  }
0x28: {  	s2 =	sld [smem:$0x3F94]  }
0x29: {  	s4 =	sld [smem:$0x3F96]  }
0x2a: {  	p0 =	seq.s32 s5, $0x0;
	s5 =	sld [smem:$0x3F97]  }
0x2b: {  	s6 =	sld [smem:$0x3F98]  }
0x2c: {  	s7 =	sld [smem:$0x3F99]  }
0x2d: {  	s3 =	simm.s32 $0x108;
	s8 =	sld [smem:$0x3F9A]  }
0x2e: {  	s3 =	simm.s32 @!p0 $0x1082;
	s9 =	sld [smem:$0x3F9B]  }
0x2f: {  	lr =	sadd.s32 s0, s3;
	s0 =	sld [smem:$0x3F92]  }
0x30: {  	s3 =	sld [smem:$0x3F95]  }
0x31: {  	[smem:$0x3F9E] =	sst s10  }
0x32: {  	s10 =	sld [smem:$0x3F9C];
	_ =	sdelay $0x3  }
0x33: {  	p0 =	seq.s32 s10, $0x1;
	s10 =	sld [smem:$0x3F9E];
	_ =	sdelay $0x3  }
0x34: {  	[smem:$0x3F9E] =	sst s10  }
0x35: {  	s10 =	sld [smem:$0x3F9D];
	_ =	sdelay $0x3  }
0x36: {  	p1 =	seq.s32 s10, $0x1;
	s10 =	sld [smem:$0x3F9E];
	_ =	sdelay $0x3  }
0x37: {  	[smem:$0x3F9E] =	sst s10  }
0x38: {  	s10 =	sld [smem:$0x3F9F]  }
0x39: {  	_ = 	snop;
	(pc) =	sbr.ind lr, $3  }
0x3a: {  	_ = 	snop  }
0x3b: {  	_ = 	snop  }
0x3c: {  	p2 =	seq.s32 s10, $0x1;
	s10 =	sld [smem:$0x3F9E]  }
0x3d: {  	_ =	shalt  }
0x3e: {  	_ =	shalt  }
0x3f: {  	_ =	shalt  }
0x40: {  	_ =	shalt  }
0x41: {  	_ =	shalt  }
0x42: {  	_ =	shalt  }
0x43: {  	_ =	shalt  }
0x44: {  	_ =	shalt  }
0x45: {  	_ =	shalt  }
0x46: {  	_ =	shalt  }
0x47: {  	_ =	shalt  }
0x48: {  	_ =	shalt  }
0x49: {  	_ =	shalt  }
0x4a: {  	_ =	shalt  }
0x4b: {  	_ =	shalt  }
0x4c: {  	_ =	shalt  }
0x4d: {  	_ =	shalt  }
0x4e: {  	_ =	shalt  }
0x4f: {  	_ =	shalt  }
0x50: {  	_ =	shalt  }
0x51: {  	_ =	shalt  }
0x52: {  	_ =	shalt  }
0x53: {  	_ =	shalt  }
0x54: {  	_ =	shalt  }
0x55: {  	_ =	shalt  }
0x56: {  	_ =	shalt  }
0x57: {  	_ =	shalt  }
0x58: {  	_ =	shalt  }
0x59: {  	_ =	shalt  }
0x5a: {  	_ =	shalt  }
0x5b: {  	_ =	shalt  }
0x5c: {  	_ =	shalt  }
0x5d: {  	_ =	shalt  }
0x5e: {  	_ =	shalt  }
0x5f: {  	_ =	shalt  }
0x60: {  	_ =	shalt  }
0x61: {  	_ =	shalt  }
0x62: {  	_ =	shalt  }
0x63: {  	_ =	shalt  }
0x64: {  	_ =	shalt  }
0x65: {  	_ =	shalt  }
0x66: {  	_ =	shalt  }
0x67: {  	_ =	shalt  }
0x68: {  	_ =	shalt  }
0x69: {  	_ =	shalt  }
0x6a: {  	_ =	shalt  }
0x6b: {  	_ =	shalt  }
0x6c: {  	_ =	shalt  }
0x6d: {  	_ =	shalt  }
0x6e: {  	_ =	shalt  }
0x6f: {  	_ =	shalt  }
0x70: {  	_ =	shalt  }
0x71: {  	_ =	shalt  }
0x72: {  	_ =	shalt  }
0x73: {  	_ =	shalt  }
0x74: {  	_ =	shalt  }
0x75: {  	_ =	shalt  }
0x76: {  	_ =	shalt  }
0x77: {  	_ =	shalt  }
0x78: {  	_ =	shalt  }
0x79: {  	_ =	shalt  }
0x7a: {  	_ =	shalt  }
0x7b: {  	_ =	shalt  }
0x7c: {  	_ =	shalt  }
0x7d: {  	_ =	shalt  }
0x7e: {  	_ =	shalt  }
0x7f: {  	_ =	shalt  }
0x80: {  	_ =	shalt  }
0x81: {  	_ =	shalt  }
0x82: {  	_ =	shalt  }
0x83: {  	_ =	shalt  }
0x84: {  	_ =	shalt  }
0x85: {  	_ =	shalt  }
0x86: {  	_ =	shalt  }
0x87: {  	_ =	shalt  }
.Lfunc_end0:
.L_simem_size_0:
called_computation_lowered:
.L_overlay_start_0:
0x88: {  	s2 =	sld [smem:$0x3FD9]  }
0x89: {  	s3 =	sld [smem:$0x3FFE];
	_ =	sdelay $0x1  }
0x8a: {  	s1 =	srdreg.scid  }
0x8b: {  	s0 =	sand.u32 $0x1, s1  }
0x8c: {  	s14 =	sshll.u32 s0, $0xA;
	s2 =	sadd.s32 s3, s2  }
0x8d: {  	s2 =	sadd.s32 s2, s14  }
0x8e: {  	[smem:$0x3FAA] =	sst s2  }
0x8f: {  	_ = 	snop  }
0x90: {  	s2 =	sld [smem:$0x3FD0];
	_ =	sdelay $0x2  }
0x91: {  	s4 =	simm.s32 $0xB;
	s5 =	simm.s32 $0x10;
	s15 =	sld [smem:$0x3FC6]  }
0x92: {  	[smem:s5], [sflag:s4] =	dma.local [hbm:s2], $0x1  }
0x93: {  	_ =	swait.eq [sflag:s4], $0x1  }
0x94: {  	[sflag:s4] =	ssyncset.done $0x0  }
0x95: {  	[sflag:s4] =	ssyncadd.s32 $0xFFFFFFFF  }
0x96: {  	s16 =	sld [smem:$0x11];
	(tm) =	ssettm $0x1  }
0x97: {  	s17 =	sld [smem:$0x3FFB];
	_ =	sdelay $0x3  }
0x98: {  	_ =	strace s17  }
0x99: {  	s4 =	sld [smem:$0x3FFC];
	_ =	sdelay $0x3  }
0x9a: {  	_ =	strace s4  }
0x9b: {  	s4 =	sld [smem:$0x3FFD];
	_ =	sdelay $0x3  }
0x9c: {  	_ =	strace s4  }
0x9d: {  	_ =	strace $0x8FFFFFFF  }
0x9e: {  	s18 =	sld [smem:$0x3FDB];
	_ =	sdelay $0x1  }
0x9f: {  	s19 =	simm.s32 $_scs_section_size  }
0xa0: {  	s6 =	simm.s32 $_size__tile_overlayer_lowered;
	s7 =	simm.s32 $_tile_overlayer_lowered  }
0xa1: {  	s22 =	simm.s32 $0x1BFF;
	s21 =	sshll.u32 s7, $0x1;
	s4 =	sadd.s32 s19, s18  }
0xa2: {  	s8 =	simm.s32 $0x0;
	s20 =	sshll.u32 s6, $0x1;
	s6 =	sadd.s32 s21, s4  }
0xa3: {  	[timem:s8], [sflag:s22] =	dma.local [hbm:s6], s20  }
0xa4: {  	_ =	swait.ge [sflag:s22], s20  }
0xa5: {  	s5 =	ssub.s32 $0x0, s20;
	[sflag:s22] =	ssyncset.done $0x0  }
0xa6: {  	[sflag:s22] =	ssyncadd.s32 s5;
	_ =	sdelay $0x1  }
0xa7: {  	s23 =	simm.s32 $0x1B8B  }
0xa8: {  	_ =	swait.ge [sflag:s23], $0x1  }
0xa9: {  	[sflag:s23] =	ssyncset.done $0x0  }
0xaa: {  	s25 =	simm.s32 $0x1B8E;
	s24 =	sld [smem:$0x3FFE];
	[sflag:s23] =	ssyncadd.s32 $0xFFFFFFFF  }
0xab: {  	s26 =	simm.s32 $execute0_lowered;
	[smem:$0x3FD2] =	sst s25  }
0xac: {  	s6 =	sshll.u32 s26, $0x1;
	_ =	strace $0x80000046;
	[dreg:$0x1] =	wrdreg $0xFFFFFFFF  }
0xad: {  	s28 =	simm.s32 $_size_execute0_lowered;
	s4 =	sadd.s32 s4, s6;
	[dreg:$0x0] =	wrdreg $0x0  }
0xae: {  	s6 =	sshll.u32 s28, $0x1;
	[dreg:$0x2] =	wrdreg s4  }
0xaf: {  	[dreg:$0x3] =	wrdreg s6  }
0xb0: {  	[dreg:$0x4] =	wrdreg $0xC0  }
0xb1: {  	_ =	task [dreg:s8], $0x5FFFF  }
0xb2: {  	[dreg:$0x1] =	wrdreg $0xFFFFFFFF  }
0xb3: {  	[dreg:$0x0] =	wrdreg $0x60  }
0xb4: {  	[dreg:$0x2] =	wrdreg s15  }
0xb5: {  	[dreg:$0x3] =	wrdreg s16  }
0xb6: {  	[dreg:$0x4] =	wrdreg s24  }
0xb7: {  	[dreg:$0x5] =	wrdreg $0x9  }
0xb8: {  	_ =	task.clear_ibuf [dreg:s8], $0x6FFFF;
	_ =	strace $0x90000046  }
0xb9: {  	s29 =	simm.s32 $0x9;
	_ =	strace $0x80000048  }
0xba: {  	_ =	swait.ge [sflag:s29], $0x1  }
0xbb: {  	[sflag:s29] =	ssyncadd.s32 $0xFFFFFFFF  }
0xbc: {  	_ =	strace $0x90000048  }
0xbd: {  	_ =	sfence  }
0xbe: {  	s30 =	sld [smem:$0x0];
	_ =	sdelay $0x2  }
0xbf: {  	s31 =	sshll.u32 s1, $0xD;
	s1 =	sshrl.u32 s1, $0x2  }
0xc0: {  	s3 =	sand.u32 $0x4000, s31;
	s1 =	sadd.s32 s1, s30  }
0xc1: {  	s0 =	sor.u32 s3, s0;
	s1 =	sshll.u32 s1, $0x11  }
0xc2: {  	s0 =	sor.u32 s1, s0  }
0xc3: {  	s0 =	sadd.s32 $0x8F2B, s0  }
0xc4: {  	[sflag:s0] =	ssyncadd.remote.s32 $0x1  }
0xc5: {  	_ =	sfence.sel $0xFFFF  }
0xc6: {  	[dreg:$0x0] =	wrdreg $0xFFFFFFFF;
	(pc) =	sbr.abs _section_cstart, $3  }
0xc7: {  	[dreg:$0x1] =	wrdreg $0xFFFFFFFF  }
0xc8: {  	_ =	task.clear_ibuf [dreg:s8], $0x2FFFF;
	_ =	strace $0x9FFFFFFF  }
0xc9: {  	(tm) =	ssettm $0x7FFFFFFF  }
tec
execute0_lowered:
.L_overlay_start_1:
0x0: {  	(tag) =	ssettag $0x1  }
0x1: {  	s1 =	rddreg [dreg:$0x0];
	s2 =	srdreg.scid  }
0x2: {  	s4 =	rddreg [dreg:$0x1];
	s0 =	stileid.u32  }
0x3: {  	s6 =	rddreg [dreg:$0x2];
	s3 =	simm.s32 $0x0;
	s10 =	simm.s32 $0x80  }
0x4: {  	s11 =	simm.s32 $0x880;
	s12 =	simm.s32 $0x1080;
	s13 =	simm.s32 $0x1880  }
0x5: {  	s14 =	simm.s32 $0x2080;
	s15 =	simm.s32 $0x2880;
	s16 =	simm.s32 $0x3080  }
0x6: {  	s17 =	simm.s32 $0x3880;
	s18 =	simm.s32 $0x4080;
	s19 =	simm.s32 $0x4880  }
0x7: {  	s20 =	simm.s32 $0x5080;
	s21 =	simm.s32 $0x5880;
	s5 =	sand.u32 $0x1, s2  }
0x8: {  	s22 =	simm.s32 $0x1;
	s7 =	sshll.u32 s0, $0x3;
	s8 =	sshll.u32 s5, $0x2  }
0x9: {  	s2 =	rddreg [dreg:$0x3];
	s5 =	ssub.s32 $0x2, s5;
	s7 =	sor.u32 s8, s7  }
0xa: {  	[smem:$0x7FF] =	sst s3;
	s9 =	sshrl.u32 s5, $0x1;
	s8 =	smul.u32 $0x300, s7  }
0xb: {  	v2 =	vlaneseq.u32;
	_ =	strace $0x80000047;
	s9 =	ssub.s32 s5, s9;
	s4 =	sadd.s32 s4, s7  }
0xc: {  	vm0 =	vmmov $0xffff;
	v1 =	vshrl.u32 v2, $0x3;
	s5 =	sadd.s32 $0x100, s1;
	s8 =	sadd.s32 s8, s6;
	s6 =	sadd.s32 $0x200, s1  }
0xd: {  	v0 =	vand.u32 $0x7, v2;
	v2 =	vor.u32 $0x8, v2;
	v1 =	vmul.u32 $0x8, v1;
	s7 =	sadd.s32 $0x6A00, s8;
	s8 =	smax.u32 s9, $0x1;
	s9 =	simm.s32 $0x2  }
.LBB2_1:
0xe: {  	[tilespmem:s3], [sflag:$0x2] =	stream.linear.gather [hbm4b:s4+s3], $0x20, $0x38;
	[tilespmem:$0x6080] =	vst v63  }
0xf: {  	_ =	swait.ge [sflag:s9], $0x20  }
0x10: {  	[sflag:s9] =	ssyncset.done $0x0  }
0x11: {  	[sflag:s9] =	ssyncadd.s32 $0xFFFFFFE0  }
0x12: {  	v3 =	vld [tilespmem:$0x0];
	_ =	sdelay $0x4  }
0x13: {  	v4 =	vshrl.u32 v3, $0x3  }
0x14: {  	v4 =	vmul.u32 $0x30, v4  }
0x15: {  	v3 =	vand.u32 $0x7, v3  }
0x16: {  	v3 =	vor.u32 v3, v4  }
0x17: {  	v4 =	vperm.xlane v3, v0;
	_ =	sdelay $0x1  }
0x18: {  	v4 =	vadd.s32 v1, v4;
	_ =	sdelay $0x3  }
0x19: {  	v3 =	vperm.xlane v3, v2  }
0x1a: {  	[tilespmem:s10], [sflag:$0x1] =	stream.indirect_vreg.gather [hbm4b:s1+s3], $0x80, v4, vm0, $0xb8;
	[tilespmem:$0x6080] =	vst v63  }
0x1b: {  	v3 =	vadd.s32 v1, v3  }
0x1c: {  	[tilespmem:s11], [sflag:$0x1] =	stream.indirect_vreg.gather [hbm4b:s5+s3], $0x80, v4, vm0, $0xb8;
	[tilespmem:$0x6080] =	vst v63  }
0x1d: {  	_ = 	snop  }
0x1e: {  	[tilespmem:s12], [sflag:$0x1] =	stream.indirect_vreg.gather [hbm4b:s6+s3], $0x80, v4, vm0, $0xb8;
	[tilespmem:$0x6080] =	vst v63  }
0x1f: {  	_ = 	snop  }
0x20: {  	[tilespmem:s13], [sflag:$0x1] =	stream.indirect_vreg.gather [hbm4b:s1+s3], $0x80, v3, vm0, $0xb8;
	[tilespmem:$0x6080] =	vst v63  }
0x21: {  	_ = 	snop  }
0x22: {  	[tilespmem:s14], [sflag:$0x1] =	stream.indirect_vreg.gather [hbm4b:s5+s3], $0x80, v3, vm0, $0xb8;
	[tilespmem:$0x6080] =	vst v63  }
0x23: {  	_ = 	snop  }
0x24: {  	[tilespmem:s15], [sflag:$0x1] =	stream.indirect_vreg.gather [hbm4b:s6+s3], $0x80, v3, vm0, $0xb8;
	[tilespmem:$0x6080] =	vst v63  }
0x25: {  	v3 =	vld [tilespmem:$0x10];
	_ =	sdelay $0x4  }
0x26: {  	v63 =	vshrl.u32 v3, $0x3  }
0x27: {  	v4 =	vmul.u32 $0x30, v63  }
0x28: {  	v3 =	vand.u32 $0x7, v3  }
0x29: {  	v3 =	vor.u32 v3, v4  }
0x2a: {  	v4 =	vperm.xlane v3, v0;
	_ =	sdelay $0x1  }
0x2b: {  	v4 =	vadd.s32 v1, v4;
	_ =	sdelay $0x3  }
0x2c: {  	v3 =	vperm.xlane v3, v2  }
0x2d: {  	[tilespmem:s16], [sflag:$0x1] =	stream.indirect_vreg.gather [hbm4b:s1+s3], $0x80, v4, vm0, $0xb8;
	[tilespmem:$0x6080] =	vst v63  }
0x2e: {  	v3 =	vadd.s32 v1, v3  }
0x2f: {  	[tilespmem:s17], [sflag:$0x1] =	stream.indirect_vreg.gather [hbm4b:s5+s3], $0x80, v4, vm0, $0xb8;
	[tilespmem:$0x6080] =	vst v63  }
0x30: {  	_ = 	snop  }
0x31: {  	[tilespmem:s18], [sflag:$0x1] =	stream.indirect_vreg.gather [hbm4b:s6+s3], $0x80, v4, vm0, $0xb8;
	[tilespmem:$0x6080] =	vst v63  }
0x32: {  	_ = 	snop  }
0x33: {  	[tilespmem:s19], [sflag:$0x1] =	stream.indirect_vreg.gather [hbm4b:s1+s3], $0x80, v3, vm0, $0xb8;
	[tilespmem:$0x6080] =	vst v63  }
0x34: {  	_ = 	snop  }
0x35: {  	[tilespmem:s20], [sflag:$0x1] =	stream.indirect_vreg.gather [hbm4b:s5+s3], $0x80, v3, vm0, $0xb8;
	[tilespmem:$0x6080] =	vst v63  }
0x36: {  	_ = 	snop  }
0x37: {  	[tilespmem:s21], [sflag:$0x1] =	stream.indirect_vreg.gather [hbm4b:s6+s3], $0x80, v3, vm0, $0xb8;
	[tilespmem:$0x6080] =	vst v63  }
0x38: {  	_ =	swait.ge [sflag:s22], $0x6000  }
0x39: {  	p0 =	sne.s32 s8, $0x1;
	[sflag:s22] =	ssyncset.done $0x0  }
.Ltmp0:
0x3a: {  	[sflag:s22] =	ssyncadd.s32 $0xFFFFA000;
	(pc) =	sbr.rel @p0 .LBB2_1-.Ltmp0, $4  }
0x3b: {  	[hbm4b:s7+s3] =	stream.linear.scatter [tilespmem:s10], [sflag:$0x2], $0x6000, $0x38;
	[tilespmem:$0x6080] =	vst v63  }
0x3c: {  	_ =	swait.ge [sflag:s9], $0x6000  }
0x3d: {  	[sflag:s9] =	ssyncset.done $0x0  }
0x3e: {  	s8 =	sadd.s32 $0xFFFFFFFF, s8;
	[sflag:s9] =	ssyncadd.s32 $0xFFFFA000  }
0x3f: {  	_ =	sfence.sel $0x180000  }
0x40: {  	[bflag:$0x0] =	sbarrier.arrive $0xFFFF  }
0x41: {  	p0 =	sne.s32 s0, $0x0;
	_ =	strace $0x90000047  }
0x42: {  	s0 =	sadd.s32 @!p0 $0x100000, s2;
	[bflag:$0x2] =	sbarrier.arrive $0xFFFF  }
0x43: {  	[sflag:s0] =	ssyncadd.tile.s32 @!p0 $0x1;
	_ =	shalt  }
.Lfunc_end2:
_tile_overlayer_lowered:
.L_overlay_start_2:
0x44: {  	(tag) =	ssettag $0x2  }
0x45: {  	s0 =	rddreg [dreg:$0x0];
	s2 =	stileid.u32  }
0x46: {  	s1 =	rddreg [dreg:$0x1];
	p0 =	sne.s32 s2, $0x0  }
0x47: {  	s3 =	rddreg [dreg:$0x2];
	[bflag:$0x3] =	sbarrier.arrive $0xFFFF;
	s2 =	simm.s32 @!p0 $0x1C02  }
0x48: {  	[timem:s3], [sflag:s2] =	dma.local @!p0 [hbm:s0], s1  }
0x49: {  	s0 =	simm.s32 @!p0 $0x2  }
0x4a: {  	_ =	swait.ge @!p0 [sflag:s0], s1  }
0x4b: {  	s1 =	ssub.s32 @!p0 $0x0, s1;
	[sflag:s0] =	ssyncset.done @!p0 $0x0  }
0x4c: {  	[sflag:s0] =	ssyncadd.s32 @!p0 s1  }
0x4d: {  	[bflag:$0x3] =	sbarrier.arrive $0xFFFF  }
0x4e: {  	_ =	shalt  }

</sc_bundles>
